<compile_context>
chip_gen: v7x
topology: tpu7x:2x2x1
jax: 0.10.2.dev20260603
libtpu: 0.0.44.dev20260713+nightly
codegen_flags: <defaults>
</compile_context>

<pallas_src>
import functools

import jax
import jax.numpy as jnp
from jax import lax
from jax.experimental import pallas as pl
from jax.experimental.pallas import tpu as pltpu
from jax.experimental.pallas import tpu_sc as plsc

_CHUNK = 128



def _sc_segment_sum(x, ei, zblk, zcnt):
    n, d = x.shape
    nc2, e = ei.shape
    info = plsc.get_sparse_core_info()
    nc, ns = info.num_cores, info.num_subcores
    nw = nc * ns
    nch_all = e // _CHUNK
    q, r = divmod(nch_all, nw)
    half = _CHUNK // 2
    rps = zblk.shape[0]
    np_ = rps * ns
    assert nch_all * _CHUNK == e and nc2 == 2 and rps % 16 == 0 and np_ >= n
    assert 0 < n - (ns - 1) * rps <= rps and (n - (ns - 1) * rps) % 16 == 0
    assert n % 16 == 0 and q >= 4

    mesh = plsc.VectorSubcoreMesh(core_axis_name="c", subcore_axis_name="s")

    @functools.partial(
        pl.kernel,
        mesh=mesh,
        out_type=[
            jax.ShapeDtypeStruct((nc * n, d), jnp.float32),
            jax.ShapeDtypeStruct((nc * np_,), jnp.float32),
        ],
        scratch_types=[
            pltpu.VMEM_SHARED((np_, d), jnp.float32),
            pltpu.VMEM_SHARED((np_,), jnp.float32),
        ]
        + [pltpu.VMEM((2, _CHUNK), jnp.int32)] * 2
        + [pltpu.VMEM((half,), jnp.int32)] * 8
        + [pltpu.VMEM((half, d), jnp.float32)] * 4
        + [pltpu.VMEM((half,), jnp.float32)]
        + [pltpu.SemaphoreType.DMA] * 10,
    )
    def seg_sum(x_hbm, ei_hbm, z_hbm, zc_hbm, out_hbm, outc_hbm,
                acc, cacc, eib0, eib1, si0, si1, si2, si3, di0, di1, di2, di3,
                rows0, rows1, rows2, rows3, ones_v,
                sem_e0, sem_e1, sg0, sg1, sg2, sg3, ss0, ss1, ss2, ss3):
        eib = (eib0, eib1)
        sidx = (si0, si1, si2, si3)
        didx = (di0, di1, di2, di3)
        rows = (rows0, rows1, rows2, rows3)
        sem_e = (sem_e0, sem_e1)
        sem_g = (sg0, sg1, sg2, sg3)
        sem_s = (ss0, ss1, ss2, ss3)
        cid = lax.axis_index("c")
        sid = lax.axis_index("s")
        pltpu.sync_copy(z_hbm, acc.at[pl.ds(sid * rps, rps)])
        pltpu.sync_copy(zc_hbm, cacc.at[pl.ds(sid * rps, rps)])
        for j in range(half // 16):
            ones_v[pl.ds(16 * j, 16)] = jnp.ones((16,), jnp.float32)
        wid = cid * ns + sid
        nch = q + jnp.where(wid < r, 1, 0)
        b0 = wid * q + jnp.minimum(wid, r)
        plsc.subcore_barrier()

        def ei_desc(c, me):
            return pltpu.make_async_copy(
                ei_hbm.at[:, pl.ds(c * _CHUNK, _CHUNK)], eib[me], sem_e[me])

        def extract(me, m):
            for hh in range(2):
                for j in range(half // 16):
                    sl = pl.ds(hh * half + 16 * j, 16)
                    so = pl.ds(16 * j, 16)
                    sidx[m + hh][so] = eib[me][0, sl]
                    didx[m + hh][so] = eib[me][1, sl]

        def gather_desc(m):
            return pltpu.make_async_copy(x_hbm.at[sidx[m]], rows[m], sem_g[m])

        def row_scat_desc(m):
            return pltpu.make_async_copy(rows[m], acc.at[didx[m]], sem_s[m])

        def cnt_scat_desc(m):
            return pltpu.make_async_copy(ones_v, cacc.at[didx[m]], sem_s[m])

        def fire_scats(m):
            row_scat_desc(m).start(add=True)
            cnt_scat_desc(m).start(add=True)

        def drain_scats(m):
            row_scat_desc(m).wait()
            cnt_scat_desc(m).wait()

        ei_desc(b0 + 0, 0).start()
        ei_desc(b0 + 1, 1).start()

        def stage(g, me, c, j, first_set):
            ei_desc(c, me).wait()

            @pl.when(g > 0)
            def _():
                drain_scats(first_set)
                drain_scats(first_set + 1)

            extract(me, first_set)

            @pl.when(j + 2 < nch)
            def _():
                ei_desc(c + 2, me).start()

            gather_desc(first_set).start()
            gather_desc(first_set + 1).start()

        def body(g, carry):
            ca = b0 + 2 * g
            stage(g, 0, ca, 2 * g, 0)
            stage(g, 1, ca + 1, 2 * g + 1, 2)
            for m in range(4):
                gather_desc(m).wait()
                fire_scats(m)
            return carry

        ngroups = nch // 2
        lax.fori_loop(0, ngroups, body, 0)

        @pl.when(nch % 2 == 1)
        def _():
            c = b0 + nch - 1
            ei_desc(c, 0).wait()
            drain_scats(0)
            drain_scats(1)
            extract(0, 0)
            gather_desc(0).start()
            gather_desc(1).start()
            for m in range(2):
                gather_desc(m).wait()
                fire_scats(m)
            drain_scats(0)
            drain_scats(1)

        @pl.when(nch % 2 == 0)
        def _():
            drain_scats(0)
            drain_scats(1)

        drain_scats(2)
        drain_scats(3)
        plsc.subcore_barrier()
        last = n - (ns - 1) * rps

        pltpu.sync_copy(
            cacc.at[pl.ds(sid * rps, rps)],
            outc_hbm.at[pl.ds(cid * np_ + sid * rps, rps)],
        )

        @pl.when(sid < ns - 1)
        def _():
            pltpu.sync_copy(
                acc.at[pl.ds(sid * rps, rps)],
                out_hbm.at[pl.ds(cid * n + sid * rps, rps)],
            )

        @pl.when(sid == ns - 1)
        def _():
            pltpu.sync_copy(
                acc.at[pl.ds((ns - 1) * rps, last)],
                out_hbm.at[pl.ds(cid * n + (ns - 1) * rps, last)],
            )

    return seg_sum(x, ei, zblk, zcnt)


def _tc_dense(x, part, cnt2, We, be2, Wl, bl2, Wr, g2, b2, Wo, bo2):
    n, d = x.shape
    h = We.shape[0]
    o = Wo.shape[0]
    blk = 2000
    grid = (n // blk,)
    nb = n // blk

    def body(x_r, s0_r, s1_r, c_r, we_r, be_r, wl_r, bl_r, wr_r, g_r, bt_r, wo_r, bo_r, o_r):
        cdims = (((1,), (1,)), ((), ()))
        xb = x_r[...]
        s = s0_r[...] + s1_r[...]
        cnt = c_r[...]
        hb = lax.dot_general(xb, we_r[...], cdims, preferred_element_type=jnp.float32) + be_r[...]
        agg = lax.dot_general(s, we_r[...], cdims, preferred_element_type=jnp.float32) + cnt * be_r[...]
        mean = agg / jnp.maximum(cnt, 1.0)
        h2 = (
            lax.dot_general(mean, wl_r[...], cdims, preferred_element_type=jnp.float32)
            + bl_r[...]
            + lax.dot_general(hb, wr_r[...], cdims, preferred_element_type=jnp.float32)
        )
        mu = jnp.mean(h2, axis=-1, keepdims=True)
        zc = h2 - mu
        var = jnp.mean(zc * zc, axis=-1, keepdims=True)
        hn = zc * lax.rsqrt(var + 1e-5) * g_r[...] + bt_r[...]
        hn = jnp.maximum(hn, 0.0)
        o_r[...] = lax.dot_general(hn, wo_r[...], cdims, preferred_element_type=jnp.float32) + bo_r[...]

    full = lambda shape: pl.BlockSpec(shape, lambda i: (0,) * len(shape))
    return pl.pallas_call(
        body,
        grid=grid,
        in_specs=[
            pl.BlockSpec((blk, d), lambda i: (i, 0)),
            pl.BlockSpec((blk, d), lambda i: (i, 0)),
            pl.BlockSpec((blk, d), lambda i: (nb + i, 0)),
            pl.BlockSpec((blk, 1), lambda i: (i, 0)),
            full((h, d)),
            full((1, h)),
            full((h, h)),
            full((1, h)),
            full((h, h)),
            full((1, h)),
            full((1, h)),
            full((o, h)),
            full((1, o)),
        ],
        out_specs=pl.BlockSpec((blk, o), lambda i: (i, 0)),
        out_shape=jax.ShapeDtypeStruct((n, o), jnp.float32),
    )(x, part, part, cnt2, We, be2, Wl, bl2, Wr, g2, b2, Wo, bo2)


def kernel(x, edge_index, We, be, Wl, bl, Wr, gamma, beta, Wo, bo):
    n, d = x.shape
    ei = edge_index.astype(jnp.int32)
    rps = (-(-n // 16) + 15) // 16 * 16
    np_ = rps * 16
    zblk = jnp.zeros((rps, d), jnp.float32)
    zcnt = jnp.zeros((rps,), jnp.float32)
    part, cnt = _sc_segment_sum(x, ei, zblk, zcnt)
    cnt_tot = cnt[:n] + cnt[np_ : np_ + n]
    return _tc_dense(
        x, part, cnt_tot[:, None],
        We, be.reshape(1, -1), Wl, bl.reshape(1, -1), Wr,
        gamma.reshape(1, -1), beta.reshape(1, -1), Wo, bo.reshape(1, -1),
    )

# --- scband reference (transcript-rebuilt; emitter-appended) ---
"""Pipeline reference for scband-weak-gnn-74594991997219 (READ-ONLY COPY).

The authoritative reference and input builder live on the scoring server;
editing this copy changes nothing except your own understanding.
"""

import jax, jax.numpy as jnp
import numpy as np

N = 10000
E = 320000
D = 128
H = 128
O = 128

def setup_inputs(seed: int = 0) -> dict:
    key = jax.random.key(seed)
    ks = jax.random.split(key, 12)
    x = jax.random.normal(ks[0], (N, D), dtype=jnp.float32)
    edge_index = jax.random.randint(ks[1], (2, E), 0, N, dtype=jnp.int64)
    s = 1.0 / np.sqrt(D)
    We = jax.random.uniform(ks[2], (H, D), minval=-s, maxval=s, dtype=jnp.float32)
    be = jax.random.uniform(ks[3], (H,), minval=-s, maxval=s, dtype=jnp.float32)
    sh = 1.0 / np.sqrt(H)
    Wl = jax.random.uniform(ks[4], (H, H), minval=-sh, maxval=sh, dtype=jnp.float32)
    bl = jax.random.uniform(ks[5], (H,), minval=-sh, maxval=sh, dtype=jnp.float32)
    Wr = jax.random.uniform(ks[6], (H, H), minval=-sh, maxval=sh, dtype=jnp.float32)
    gamma = jnp.ones((H,), dtype=jnp.float32)
    beta = jnp.zeros((H,), dtype=jnp.float32)
    Wo = jax.random.uniform(ks[7], (O, H), minval=-sh, maxval=sh, dtype=jnp.float32)
    bo = jax.random.uniform(ks[8], (O,), minval=-sh, maxval=sh, dtype=jnp.float32)
    return {"x": x, "edge_index": edge_index, "We": We, "be": be, "Wl": Wl, "bl": bl, "Wr": Wr, "gamma": gamma, "beta": beta, "Wo": Wo, "bo": bo}

def reference(x, edge_index, We, be, Wl, bl, Wr, gamma, beta, Wo, bo):
    # node_encoder
    h = x @ We.T + be
    # SAGEConv (PyG defaults: aggr='mean', root_weight=True, normalize=False)
    src = edge_index[0]
    dst = edge_index[1]
    msg = jnp.take(h, src, axis=0)
    agg = jax.ops.segment_sum(msg, dst, num_segments=N)
    cnt = jax.ops.segment_sum(jnp.ones((E,), dtype=h.dtype), dst, num_segments=N)
    mean = agg / jnp.clip(cnt, 1.0, None)[:, None]
    h2 = mean @ Wl.T + bl + h @ Wr.T
    # layers[1:] are AdaGNNLayer with fixed=True -> identity
    # layers[0].norm (LayerNorm affine) + layers[0].act (ReLU)
    mu = jnp.mean(h2, axis=-1, keepdims=True)
    var = jnp.mean((h2 - mu) ** 2, axis=-1, keepdims=True)
    hn = (h2 - mu) / jnp.sqrt(var + 1e-5) * gamma + beta
    hn = jax.nn.relu(hn)
    # final linear
    return hn @ Wo.T + bo

if __name__ == "__main__":
    import jax
    _d = setup_inputs()
    print(jax.jit(kernel)(*tuple(_d.values())))

</pallas_src>

<mosaic_0001>
#map = affine_map<(d0, d1) -> (0, 0)>
#map1 = affine_map<(d0, d1) -> (0)>
module attributes {stable_mosaic.version = 14 : i64} {
  func.func @seg_sum(%arg0: i32, %arg1: i32, %arg2: memref<10000x128xf32, #tpu.memory_space<hbm>>, %arg3: memref<2x320000xi32, #tpu.memory_space<hbm>>, %arg4: memref<640x128xf32, #tpu.memory_space<hbm>>, %arg5: memref<640xf32, #tpu.memory_space<hbm>>, %arg6: memref<20000x128xf32, #tpu.memory_space<hbm>>, %arg7: memref<20480xf32, #tpu.memory_space<hbm>>, %arg8: memref<10240x128xf32, #tpu.memory_space<vmem_shared>>, %arg9: memref<10240xf32, #tpu.memory_space<vmem_shared>>, %arg10: memref<2x128xi32, #tpu.memory_space<vmem>>, %arg11: memref<2x128xi32, #tpu.memory_space<vmem>>, %arg12: memref<64xi32, #tpu.memory_space<vmem>>, %arg13: memref<64xi32, #tpu.memory_space<vmem>>, %arg14: memref<64xi32, #tpu.memory_space<vmem>>, %arg15: memref<64xi32, #tpu.memory_space<vmem>>, %arg16: memref<64xi32, #tpu.memory_space<vmem>>, %arg17: memref<64xi32, #tpu.memory_space<vmem>>, %arg18: memref<64xi32, #tpu.memory_space<vmem>>, %arg19: memref<64xi32, #tpu.memory_space<vmem>>, %arg20: memref<64x128xf32, #tpu.memory_space<vmem>>, %arg21: memref<64x128xf32, #tpu.memory_space<vmem>>, %arg22: memref<64x128xf32, #tpu.memory_space<vmem>>, %arg23: memref<64x128xf32, #tpu.memory_space<vmem>>, %arg24: memref<64xf32, #tpu.memory_space<vmem>>, %arg25: memref<!tpu.dma_semaphore, #tpu.memory_space<semaphore_mem>>, %arg26: memref<!tpu.dma_semaphore, #tpu.memory_space<semaphore_mem>>, %arg27: memref<!tpu.dma_semaphore, #tpu.memory_space<semaphore_mem>>, %arg28: memref<!tpu.dma_semaphore, #tpu.memory_space<semaphore_mem>>, %arg29: memref<!tpu.dma_semaphore, #tpu.memory_space<semaphore_mem>>, %arg30: memref<!tpu.dma_semaphore, #tpu.memory_space<semaphore_mem>>, %arg31: memref<!tpu.dma_semaphore, #tpu.memory_space<semaphore_mem>>, %arg32: memref<!tpu.dma_semaphore, #tpu.memory_space<semaphore_mem>>, %arg33: memref<!tpu.dma_semaphore, #tpu.memory_space<semaphore_mem>>, %arg34: memref<!tpu.dma_semaphore, #tpu.memory_space<semaphore_mem>>) attributes {dimension_semantics = [#tpu.dimension_semantics<core_parallel>, #tpu.dimension_semantics<subcore_parallel>], iteration_bounds = array<i64: 2, 16>, scalar_prefetch = 0 : i64, scratch_operands = 27 : i64, tpu.core_type = #tpu.core_type<sc_vector_subcore>, window_params = [{transform_indices = #map}, {transform_indices = #map}, {transform_indices = #map}, {transform_indices = #map1}, {transform_indices = #map}, {transform_indices = #map1}]} {
    %mul3A = arith.constant 640 : i32
    %mul3A_0 = arith.muli %arg1, %mul3A : i32
    "tpu.region"() ({
      %run_scoped3A = tpu.sem_alloc : memref<!tpu.dma_semaphore, #tpu.memory_space<semaphore_mem>>
      %dma_start3A_143 = arith.constant 0 : i32
      %dma_start3A_144 = tpu.memref_slice %arg8[%mul3A_0, %dma_start3A_143] : memref<10240x128xf32, #tpu.memory_space<vmem_shared>> -> memref<640x128xf32, #tpu.memory_space<vmem_shared>>
      tpu.enqueue_dma source(%arg4 : memref<640x128xf32, #tpu.memory_space<hbm>>) target(%dma_start3A_144 : memref<640x128xf32, #tpu.memory_space<vmem_shared>>) target_semaphore(%run_scoped3A : memref<!tpu.dma_semaphore, #tpu.memory_space<semaphore_mem>>)
      %dma_wait3A_145 = arith.constant 0 : i32
      %dma_wait3A_146 = tpu.memref_slice %arg8[%mul3A_0, %dma_wait3A_145] : memref<10240x128xf32, #tpu.memory_space<vmem_shared>> -> memref<640x128xf32, #tpu.memory_space<vmem_shared>>
      tpu.wait_dma2 semaphore(%run_scoped3A : memref<!tpu.dma_semaphore, #tpu.memory_space<semaphore_mem>>) src(%arg4 : memref<640x128xf32, #tpu.memory_space<hbm>>) dst(%dma_wait3A_146 : memref<640x128xf32, #tpu.memory_space<vmem_shared>>)
      tpu.yield
    }) : () -> ()
    %mul3A_1 = arith.constant 640 : i32
    %mul3A_2 = arith.muli %arg1, %mul3A_1 : i32
    "tpu.region"() ({
      %run_scoped3A = tpu.sem_alloc : memref<!tpu.dma_semaphore, #tpu.memory_space<semaphore_mem>>
      %dma_start3A_143 = tpu.memref_slice %arg9[%mul3A_2] : memref<10240xf32, #tpu.memory_space<vmem_shared>> -> memref<640xf32, #tpu.memory_space<vmem_shared>>
      tpu.enqueue_dma source(%arg5 : memref<640xf32, #tpu.memory_space<hbm>>) target(%dma_start3A_143 : memref<640xf32, #tpu.memory_space<vmem_shared>>) target_semaphore(%run_scoped3A : memref<!tpu.dma_semaphore, #tpu.memory_space<semaphore_mem>>)
      %dma_wait3A_144 = tpu.memref_slice %arg9[%mul3A_2] : memref<10240xf32, #tpu.memory_space<vmem_shared>> -> memref<640xf32, #tpu.memory_space<vmem_shared>>
      tpu.wait_dma2 semaphore(%run_scoped3A : memref<!tpu.dma_semaphore, #tpu.memory_space<semaphore_mem>>) src(%arg5 : memref<640xf32, #tpu.memory_space<hbm>>) dst(%dma_wait3A_144 : memref<640xf32, #tpu.memory_space<vmem_shared>>)
      tpu.yield
    }) : () -> ()
    %broadcast_in_dim3A = arith.constant 1.000000e+00 : f32
    %broadcast_in_dim3A_3 = vector.broadcast %broadcast_in_dim3A : f32 to vector<16xf32>
    %swap3A = arith.constant 0 : index
    %swap3A_4 = tpu.vector_load %arg24[%swap3A] {strides = array<i32>} : memref<64xf32, #tpu.memory_space<vmem>>, vector<16xf32>,
    %swap3A_5 = vector.shape_cast %swap3A_4 : vector<16xf32> to vector<16xf32>
    %swap3A_6 = vector.shape_cast %broadcast_in_dim3A_3 : vector<16xf32> to vector<16xf32>
    tpu.vector_store %arg24[%swap3A], %swap3A_6 {strides = array<i32>} : memref<64xf32, #tpu.memory_space<vmem>>, vector<16xf32>,
    %broadcast_in_dim3A_7 = arith.constant 1.000000e+00 : f32
    %broadcast_in_dim3A_8 = vector.broadcast %broadcast_in_dim3A_7 : f32 to vector<16xf32>
    %swap3A_9 = arith.constant 16 : index
    %swap3A_10 = tpu.vector_load %arg24[%swap3A_9] {strides = array<i32>} : memref<64xf32, #tpu.memory_space<vmem>>, vector<16xf32>,
    %swap3A_11 = vector.shape_cast %swap3A_10 : vector<16xf32> to vector<16xf32>
    %swap3A_12 = vector.shape_cast %broadcast_in_dim3A_8 : vector<16xf32> to vector<16xf32>
    tpu.vector_store %arg24[%swap3A_9], %swap3A_12 {strides = array<i32>} : memref<64xf32, #tpu.memory_space<vmem>>, vector<16xf32>,
    %broadcast_in_dim3A_13 = arith.constant 1.000000e+00 : f32
    %broadcast_in_dim3A_14 = vector.broadcast %broadcast_in_dim3A_13 : f32 to vector<16xf32>
    %swap3A_15 = arith.constant 32 : index
    %swap3A_16 = tpu.vector_load %arg24[%swap3A_15] {strides = array<i32>} : memref<64xf32, #tpu.memory_space<vmem>>, vector<16xf32>,
    %swap3A_17 = vector.shape_cast %swap3A_16 : vector<16xf32> to vector<16xf32>
    %swap3A_18 = vector.shape_cast %broadcast_in_dim3A_14 : vector<16xf32> to vector<16xf32>
    tpu.vector_store %arg24[%swap3A_15], %swap3A_18 {strides = array<i32>} : memref<64xf32, #tpu.memory_space<vmem>>, vector<16xf32>,
    %broadcast_in_dim3A_19 = arith.constant 1.000000e+00 : f32
    %broadcast_in_dim3A_20 = vector.broadcast %broadcast_in_dim3A_19 : f32 to vector<16xf32>
    %swap3A_21 = arith.constant 48 : index
    %swap3A_22 = tpu.vector_load %arg24[%swap3A_21] {strides = array<i32>} : memref<64xf32, #tpu.memory_space<vmem>>, vector<16xf32>,
    %swap3A_23 = vector.shape_cast %swap3A_22 : vector<16xf32> to vector<16xf32>
    %swap3A_24 = vector.shape_cast %broadcast_in_dim3A_20 : vector<16xf32> to vector<16xf32>
    tpu.vector_store %arg24[%swap3A_21], %swap3A_24 {strides = array<i32>} : memref<64xf32, #tpu.memory_space<vmem>>, vector<16xf32>,
    %mul3A_25 = arith.constant 16 : i32
    %mul3A_26 = arith.muli %arg0, %mul3A_25 : i32
    %add3A = arith.addi %mul3A_26, %arg1 : i32
    %lt3A = arith.constant 4 : i32
    %lt3A_27 = arith.cmpi slt, %add3A, %lt3A : i32
    %jit3A = arith.constant 1 : i32
    %jit3A_28 = arith.constant 0 : i32
    %select_n3A = arith.select %lt3A_27, %jit3A, %jit3A_28 : i32
    %add3A_29 = arith.constant 78 : i32
    %add3A_30 = arith.addi %add3A_29, %select_n3A : i32
    %mul3A_31 = arith.constant 78 : i32
    %mul3A_32 = arith.muli %add3A, %mul3A_31 : i32
    %min3A = arith.constant 4 : i32
    %min3A_33 = arith.minsi %add3A, %min3A : i32
    %add3A_34 = arith.addi %mul3A_32, %min3A_33 : i32
    %barrier3A = arith.constant 0 : index
    tpu.barrier barrier_id(%barrier3A)
    %add3A_35 = arith.constant 0 : i32
    %add3A_36 = arith.addi %add3A_34, %add3A_35 : i32
    %mul3A_37 = arith.constant 128 : i32
    %mul3A_38 = arith.muli %add3A_36, %mul3A_37 : i32
    %dma_start3A = arith.constant 0 : i32
    %dma_start3A_39 = tpu.memref_slice %arg3[%dma_start3A, %mul3A_38] : memref<2x320000xi32, #tpu.memory_space<hbm>> -> memref<2x128xi32, #tpu.memory_space<hbm>>
    %dma_start3A_40 = arith.constant 0 : i32
    %dma_start3A_41 = tpu.memref_slice %arg3[%dma_start3A_40, %mul3A_38] : memref<2x320000xi32, #tpu.memory_space<hbm>> -> memref<2x128xi32, #tpu.memory_space<hbm>>
    tpu.enqueue_dma source(%dma_start3A_41 : memref<2x128xi32, #tpu.memory_space<hbm>>) target(%arg10 : memref<2x128xi32, #tpu.memory_space<vmem>>) target_semaphore(%arg25 : memref<!tpu.dma_semaphore, #tpu.memory_space<semaphore_mem>>)
    %add3A_42 = arith.constant 1 : i32
    %add3A_43 = arith.addi %add3A_34, %add3A_42 : i32
    %mul3A_44 = arith.constant 128 : i32
    %mul3A_45 = arith.muli %add3A_43, %mul3A_44 : i32
    %dma_start3A_46 = arith.constant 0 : i32
    %dma_start3A_47 = tpu.memref_slice %arg3[%dma_start3A_46, %mul3A_45] : memref<2x320000xi32, #tpu.memory_space<hbm>> -> memref<2x128xi32, #tpu.memory_space<hbm>>
    %dma_start3A_48 = arith.constant 0 : i32
    %dma_start3A_49 = tpu.memref_slice %arg3[%dma_start3A_48, %mul3A_45] : memref<2x320000xi32, #tpu.memory_space<hbm>> -> memref<2x128xi32, #tpu.memory_space<hbm>>
    tpu.enqueue_dma source(%dma_start3A_49 : memref<2x128xi32, #tpu.memory_space<hbm>>) target(%arg11 : memref<2x128xi32, #tpu.memory_space<vmem>>) target_semaphore(%arg26 : memref<!tpu.dma_semaphore, #tpu.memory_space<semaphore_mem>>)
    %jit3A_50 = arith.constant 2 : i32
    %div3A = arith.divsi %add3A_30, %jit3A_50 : i32
    %sign3A = arith.constant 0 : i32
    %sign3A_51 = arith.cmpi sgt, %add3A_30, %sign3A : i32
    %sign3A_52 = arith.extui %sign3A_51 : i1 to i32
    %sign3A_53 = arith.constant 0 : i32
    %sign3A_54 = arith.cmpi slt, %add3A_30, %sign3A_53 : i32
    %sign3A_55 = arith.extui %sign3A_54 : i1 to i32
    %sign3A_56 = arith.subi %sign3A_52, %sign3A_55 : i32
    %sign3A_57 = arith.constant 0 : i32
    %sign3A_58 = arith.cmpi sgt, %jit3A_50, %sign3A_57 : i32
    %sign3A_59 = arith.extui %sign3A_58 : i1 to i32
    %sign3A_60 = arith.constant 0 : i32
    %sign3A_61 = arith.cmpi slt, %jit3A_50, %sign3A_60 : i32
    %sign3A_62 = arith.extui %sign3A_61 : i1 to i32
    %sign3A_63 = arith.subi %sign3A_59, %sign3A_62 : i32
    %ne3A = arith.cmpi ne, %sign3A_56, %sign3A_63 : i32
    %rem3A = arith.remsi %add3A_30, %jit3A_50 : i32
    %ne3A_64 = arith.constant 0 : i32
    %ne3A_65 = arith.cmpi ne, %rem3A, %ne3A_64 : i32
    %and3A = arith.andi %ne3A, %ne3A_65 : i1
    %sub3A = arith.constant 1 : i32
    %sub3A_66 = arith.subi %div3A, %sub3A : i32
    %select_n3A_67 = arith.select %and3A, %sub3A_66, %div3A : i32
    %while3A = arith.constant 0 : i32
    %while3A_68 = arith.constant 0 : i32
    %while3A_69 = arith.subi %select_n3A_67, %while3A_68 : i32
    %while3A_70 = arith.addi %while3A_68, %while3A_69 : i32
    %while3A_71 = arith.constant 1 : i32
    %while3A_72 = arith.divsi %while3A_69, %while3A_71 : i32
    %while3A_73 = arith.muli %while3A_72, %while3A_71 : i32
    %while3A_74 = arith.addi %while3A_68, %while3A_73 : i32
    %while3A_75 = arith.constant 1 : i32
    scf.for %while3A_143 = %while3A_68 to %while3A_74 step %while3A_75  : i32 {
      %mul3A_144 = arith.constant 2 : i32
      %mul3A_145 = arith.muli %mul3A_144, %while3A_143 : i32
      %add3A_146 = arith.addi %add3A_34, %mul3A_145 : i32
      %mul3A_147 = arith.constant 2 : i32
      %mul3A_148 = arith.muli %mul3A_147, %while3A_143 : i32
      %mul3A_149 = arith.constant 128 : i32
      %mul3A_150 = arith.muli %add3A_146, %mul3A_149 : i32
      %dma_wait3A_151 = arith.constant 0 : i32
      %dma_wait3A_152 = tpu.memref_slice %arg3[%dma_wait3A_151, %mul3A_150] : memref<2x320000xi32, #tpu.memory_space<hbm>> -> memref<2x128xi32, #tpu.memory_space<hbm>>
      %dma_wait3A_153 = arith.constant 0 : i32
      %dma_wait3A_154 = tpu.memref_slice %arg3[%dma_wait3A_153, %mul3A_150] : memref<2x320000xi32, #tpu.memory_space<hbm>> -> memref<2x128xi32, #tpu.memory_space<hbm>>
      tpu.wait_dma2 semaphore(%arg25 : memref<!tpu.dma_semaphore, #tpu.memory_space<semaphore_mem>>) src(%dma_wait3A_154 : memref<2x128xi32, #tpu.memory_space<hbm>>) dst(%arg10 : memref<2x128xi32, #tpu.memory_space<vmem>>)
      %gt3A = arith.constant 0 : i32
      %gt3A_155 = arith.cmpi sgt, %while3A_143, %gt3A : i32
      %convert_element_type3A_156 = arith.extui %gt3A_155 : i1 to i32
      %cond3A_157 = arith.constant 0 : i32
      %cond3A_158 = arith.cmpi ne, %convert_element_type3A_156, %cond3A_157 : i32
      scf.if %cond3A_158 {
        %dma_wait3A_519 = arith.constant 0 : i32
        %dma_wait3A_520 = arith.constant 0 : i32
        %dma_wait3A_521 = tpu.memref_slice %arg8[%dma_wait3A_519, %dma_wait3A_520] : memref<10240x128xf32, #tpu.memory_space<vmem_shared>> -> memref<10240x128xf32, #tpu.memory_space<vmem_shared>>
        tpu.wait_indirect_dma semaphore(%arg31 : memref<!tpu.dma_semaphore, #tpu.memory_space<semaphore_mem>>) src(%arg20 : memref<64x128xf32, #tpu.memory_space<vmem>>) dst(%dma_wait3A_521 : memref<10240x128xf32, #tpu.memory_space<vmem_shared>>)
        %dma_wait3A_522 = arith.constant 0 : i32
        %dma_wait3A_523 = tpu.memref_slice %arg9[%dma_wait3A_522] : memref<10240xf32, #tpu.memory_space<vmem_shared>> -> memref<10240xf32, #tpu.memory_space<vmem_shared>>
        tpu.wait_indirect_dma semaphore(%arg31 : memref<!tpu.dma_semaphore, #tpu.memory_space<semaphore_mem>>) src(%arg24 : memref<64xf32, #tpu.memory_space<vmem>>) dst(%dma_wait3A_523 : memref<10240xf32, #tpu.memory_space<vmem_shared>>)
        %dma_wait3A_524 = arith.constant 0 : i32
        %dma_wait3A_525 = arith.constant 0 : i32
        %dma_wait3A_526 = tpu.memref_slice %arg8[%dma_wait3A_524, %dma_wait3A_525] : memref<10240x128xf32, #tpu.memory_space<vmem_shared>> -> memref<10240x128xf32, #tpu.memory_space<vmem_shared>>
        tpu.wait_indirect_dma semaphore(%arg32 : memref<!tpu.dma_semaphore, #tpu.memory_space<semaphore_mem>>) src(%arg21 : memref<64x128xf32, #tpu.memory_space<vmem>>) dst(%dma_wait3A_526 : memref<10240x128xf32, #tpu.memory_space<vmem_shared>>)
        %dma_wait3A_527 = arith.constant 0 : i32
        %dma_wait3A_528 = tpu.memref_slice %arg9[%dma_wait3A_527] : memref<10240xf32, #tpu.memory_space<vmem_shared>> -> memref<10240xf32, #tpu.memory_space<vmem_shared>>
        tpu.wait_indirect_dma semaphore(%arg32 : memref<!tpu.dma_semaphore, #tpu.memory_space<semaphore_mem>>) src(%arg24 : memref<64xf32, #tpu.memory_space<vmem>>) dst(%dma_wait3A_528 : memref<10240xf32, #tpu.memory_space<vmem_shared>>)
      } else {
      }
      %get3A = arith.constant 0 : i32
      %get3A_159 = arith.index_cast %get3A : i32 to index
      %get3A_160 = arith.constant 0 : index
      %get3A_161 = tpu.vector_load %arg10[%get3A_159, %get3A_160] {strides = array<i32>} : memref<2x128xi32, #tpu.memory_space<vmem>>, vector<1x16xi32>,
      %get3A_162 = vector.shape_cast %get3A_161 : vector<1x16xi32> to vector<16xi32>
      %swap3A_163 = arith.constant 0 : index
      %swap3A_164 = tpu.vector_load %arg12[%swap3A_163] {strides = array<i32>} : memref<64xi32, #tpu.memory_space<vmem>>, vector<16xi32>,
      %swap3A_165 = vector.shape_cast %swap3A_164 : vector<16xi32> to vector<16xi32>
      %swap3A_166 = vector.shape_cast %get3A_162 : vector<16xi32> to vector<16xi32>
      tpu.vector_store %arg12[%swap3A_163], %swap3A_166 {strides = array<i32>} : memref<64xi32, #tpu.memory_space<vmem>>, vector<16xi32>,
      %get3A_167 = arith.constant 1 : i32
      %get3A_168 = arith.index_cast %get3A_167 : i32 to index
      %get3A_169 = arith.constant 0 : index
      %get3A_170 = tpu.vector_load %arg10[%get3A_168, %get3A_169] {strides = array<i32>} : memref<2x128xi32, #tpu.memory_space<vmem>>, vector<1x16xi32>,
      %get3A_171 = vector.shape_cast %get3A_170 : vector<1x16xi32> to vector<16xi32>
      %swap3A_172 = arith.constant 0 : index
      %swap3A_173 = tpu.vector_load %arg16[%swap3A_172] {strides = array<i32>} : memref<64xi32, #tpu.memory_space<vmem>>, vector<16xi32>,
      %swap3A_174 = vector.shape_cast %swap3A_173 : vector<16xi32> to vector<16xi32>
      %swap3A_175 = vector.shape_cast %get3A_171 : vector<16xi32> to vector<16xi32>
      tpu.vector_store %arg16[%swap3A_172], %swap3A_175 {strides = array<i32>} : memref<64xi32, #tpu.memory_space<vmem>>, vector<16xi32>,
      %get3A_176 = arith.constant 0 : i32
      %get3A_177 = arith.index_cast %get3A_176 : i32 to index
      %get3A_178 = arith.constant 16 : index
      %get3A_179 = tpu.vector_load %arg10[%get3A_177, %get3A_178] {strides = array<i32>} : memref<2x128xi32, #tpu.memory_space<vmem>>, vector<1x16xi32>,
      %get3A_180 = vector.shape_cast %get3A_179 : vector<1x16xi32> to vector<16xi32>
      %swap3A_181 = arith.constant 16 : index
      %swap3A_182 = tpu.vector_load %arg12[%swap3A_181] {strides = array<i32>} : memref<64xi32, #tpu.memory_space<vmem>>, vector<16xi32>,
      %swap3A_183 = vector.shape_cast %swap3A_182 : vector<16xi32> to vector<16xi32>
      %swap3A_184 = vector.shape_cast %get3A_180 : vector<16xi32> to vector<16xi32>
      tpu.vector_store %arg12[%swap3A_181], %swap3A_184 {strides = array<i32>} : memref<64xi32, #tpu.memory_space<vmem>>, vector<16xi32>,
      %get3A_185 = arith.constant 1 : i32
      %get3A_186 = arith.index_cast %get3A_185 : i32 to index
      %get3A_187 = arith.constant 16 : index
      %get3A_188 = tpu.vector_load %arg10[%get3A_186, %get3A_187] {strides = array<i32>} : memref<2x128xi32, #tpu.memory_space<vmem>>, vector<1x16xi32>,
      %get3A_189 = vector.shape_cast %get3A_188 : vector<1x16xi32> to vector<16xi32>
      %swap3A_190 = arith.constant 16 : index
      %swap3A_191 = tpu.vector_load %arg16[%swap3A_190] {strides = array<i32>} : memref<64xi32, #tpu.memory_space<vmem>>, vector<16xi32>,
      %swap3A_192 = vector.shape_cast %swap3A_191 : vector<16xi32> to vector<16xi32>
      %swap3A_193 = vector.shape_cast %get3A_189 : vector<16xi32> to vector<16xi32>
      tpu.vector_store %arg16[%swap3A_190], %swap3A_193 {strides = array<i32>} : memref<64xi32, #tpu.memory_space<vmem>>, vector<16xi32>,
      %get3A_194 = arith.constant 0 : i32
      %get3A_195 = arith.index_cast %get3A_194 : i32 to index
      %get3A_196 = arith.constant 32 : index
      %get3A_197 = tpu.vector_load %arg10[%get3A_195, %get3A_196] {strides = array<i32>} : memref<2x128xi32, #tpu.memory_space<vmem>>, vector<1x16xi32>,
      %get3A_198 = vector.shape_cast %get3A_197 : vector<1x16xi32> to vector<16xi32>
      %swap3A_199 = arith.constant 32 : index
      %swap3A_200 = tpu.vector_load %arg12[%swap3A_199] {strides = array<i32>} : memref<64xi32, #tpu.memory_space<vmem>>, vector<16xi32>,
      %swap3A_201 = vector.shape_cast %swap3A_200 : vector<16xi32> to vector<16xi32>
      %swap3A_202 = vector.shape_cast %get3A_198 : vector<16xi32> to vector<16xi32>
      tpu.vector_store %arg12[%swap3A_199], %swap3A_202 {strides = array<i32>} : memref<64xi32, #tpu.memory_space<vmem>>, vector<16xi32>,
      %get3A_203 = arith.constant 1 : i32
      %get3A_204 = arith.index_cast %get3A_203 : i32 to index
      %get3A_205 = arith.constant 32 : index
      %get3A_206 = tpu.vector_load %arg10[%get3A_204, %get3A_205] {strides = array<i32>} : memref<2x128xi32, #tpu.memory_space<vmem>>, vector<1x16xi32>,
      %get3A_207 = vector.shape_cast %get3A_206 : vector<1x16xi32> to vector<16xi32>
      %swap3A_208 = arith.constant 32 : index
      %swap3A_209 = tpu.vector_load %arg16[%swap3A_208] {strides = array<i32>} : memref<64xi32, #tpu.memory_space<vmem>>, vector<16xi32>,
      %swap3A_210 = vector.shape_cast %swap3A_209 : vector<16xi32> to vector<16xi32>
      %swap3A_211 = vector.shape_cast %get3A_207 : vector<16xi32> to vector<16xi32>
      tpu.vector_store %arg16[%swap3A_208], %swap3A_211 {strides = array<i32>} : memref<64xi32, #tpu.memory_space<vmem>>, vector<16xi32>,
      %get3A_212 = arith.constant 0 : i32
      %get3A_213 = arith.index_cast %get3A_212 : i32 to index
      %get3A_214 = arith.constant 48 : index
      %get3A_215 = tpu.vector_load %arg10[%get3A_213, %get3A_214] {strides = array<i32>} : memref<2x128xi32, #tpu.memory_space<vmem>>, vector<1x16xi32>,
      %get3A_216 = vector.shape_cast %get3A_215 : vector<1x16xi32> to vector<16xi32>
      %swap3A_217 = arith.constant 48 : index
      %swap3A_218 = tpu.vector_load %arg12[%swap3A_217] {strides = array<i32>} : memref<64xi32, #tpu.memory_space<vmem>>, vector<16xi32>,
      %swap3A_219 = vector.shape_cast %swap3A_218 : vector<16xi32> to vector<16xi32>
      %swap3A_220 = vector.shape_cast %get3A_216 : vector<16xi32> to vector<16xi32>
      tpu.vector_store %arg12[%swap3A_217], %swap3A_220 {strides = array<i32>} : memref<64xi32, #tpu.memory_space<vmem>>, vector<16xi32>,
      %get3A_221 = arith.constant 1 : i32
      %get3A_222 = arith.index_cast %get3A_221 : i32 to index
      %get3A_223 = arith.constant 48 : index
      %get3A_224 = tpu.vector_load %arg10[%get3A_222, %get3A_223] {strides = array<i32>} : memref<2x128xi32, #tpu.memory_space<vmem>>, vector<1x16xi32>,
      %get3A_225 = vector.shape_cast %get3A_224 : vector<1x16xi32> to vector<16xi32>
      %swap3A_226 = arith.constant 48 : index
      %swap3A_227 = tpu.vector_load %arg16[%swap3A_226] {strides = array<i32>} : memref<64xi32, #tpu.memory_space<vmem>>, vector<16xi32>,
      %swap3A_228 = vector.shape_cast %swap3A_227 : vector<16xi32> to vector<16xi32>
      %swap3A_229 = vector.shape_cast %get3A_225 : vector<16xi32> to vector<16xi32>
      tpu.vector_store %arg16[%swap3A_226], %swap3A_229 {strides = array<i32>} : memref<64xi32, #tpu.memory_space<vmem>>, vector<16xi32>,
      %get3A_230 = arith.constant 0 : i32
      %get3A_231 = arith.index_cast %get3A_230 : i32 to index
      %get3A_232 = arith.constant 64 : index
      %get3A_233 = tpu.vector_load %arg10[%get3A_231, %get3A_232] {strides = array<i32>} : memref<2x128xi32, #tpu.memory_space<vmem>>, vector<1x16xi32>,
      %get3A_234 = vector.shape_cast %get3A_233 : vector<1x16xi32> to vector<16xi32>
      %swap3A_235 = arith.constant 0 : index
      %swap3A_236 = tpu.vector_load %arg13[%swap3A_235] {strides = array<i32>} : memref<64xi32, #tpu.memory_space<vmem>>, vector<16xi32>,
      %swap3A_237 = vector.shape_cast %swap3A_236 : vector<16xi32> to vector<16xi32>
      %swap3A_238 = vector.shape_cast %get3A_234 : vector<16xi32> to vector<16xi32>
      tpu.vector_store %arg13[%swap3A_235], %swap3A_238 {strides = array<i32>} : memref<64xi32, #tpu.memory_space<vmem>>, vector<16xi32>,
      %get3A_239 = arith.constant 1 : i32
      %get3A_240 = arith.index_cast %get3A_239 : i32 to index
      %get3A_241 = arith.constant 64 : index
      %get3A_242 = tpu.vector_load %arg10[%get3A_240, %get3A_241] {strides = array<i32>} : memref<2x128xi32, #tpu.memory_space<vmem>>, vector<1x16xi32>,
      %get3A_243 = vector.shape_cast %get3A_242 : vector<1x16xi32> to vector<16xi32>
      %swap3A_244 = arith.constant 0 : index
      %swap3A_245 = tpu.vector_load %arg17[%swap3A_244] {strides = array<i32>} : memref<64xi32, #tpu.memory_space<vmem>>, vector<16xi32>,
      %swap3A_246 = vector.shape_cast %swap3A_245 : vector<16xi32> to vector<16xi32>
      %swap3A_247 = vector.shape_cast %get3A_243 : vector<16xi32> to vector<16xi32>
      tpu.vector_store %arg17[%swap3A_244], %swap3A_247 {strides = array<i32>} : memref<64xi32, #tpu.memory_space<vmem>>, vector<16xi32>,
      %get3A_248 = arith.constant 0 : i32
      %get3A_249 = arith.index_cast %get3A_248 : i32 to index
      %get3A_250 = arith.constant 80 : index
      %get3A_251 = tpu.vector_load %arg10[%get3A_249, %get3A_250] {strides = array<i32>} : memref<2x128xi32, #tpu.memory_space<vmem>>, vector<1x16xi32>,
      %get3A_252 = vector.shape_cast %get3A_251 : vector<1x16xi32> to vector<16xi32>
      %swap3A_253 = arith.constant 16 : index
      %swap3A_254 = tpu.vector_load %arg13[%swap3A_253] {strides = array<i32>} : memref<64xi32, #tpu.memory_space<vmem>>, vector<16xi32>,
      %swap3A_255 = vector.shape_cast %swap3A_254 : vector<16xi32> to vector<16xi32>
      %swap3A_256 = vector.shape_cast %get3A_252 : vector<16xi32> to vector<16xi32>
      tpu.vector_store %arg13[%swap3A_253], %swap3A_256 {strides = array<i32>} : memref<64xi32, #tpu.memory_space<vmem>>, vector<16xi32>,
      %get3A_257 = arith.constant 1 : i32
      %get3A_258 = arith.index_cast %get3A_257 : i32 to index
      %get3A_259 = arith.constant 80 : index
      %get3A_260 = tpu.vector_load %arg10[%get3A_258, %get3A_259] {strides = array<i32>} : memref<2x128xi32, #tpu.memory_space<vmem>>, vector<1x16xi32>,
      %get3A_261 = vector.shape_cast %get3A_260 : vector<1x16xi32> to vector<16xi32>
      %swap3A_262 = arith.constant 16 : index
      %swap3A_263 = tpu.vector_load %arg17[%swap3A_262] {strides = array<i32>} : memref<64xi32, #tpu.memory_space<vmem>>, vector<16xi32>,
      %swap3A_264 = vector.shape_cast %swap3A_263 : vector<16xi32> to vector<16xi32>
      %swap3A_265 = vector.shape_cast %get3A_261 : vector<16xi32> to vector<16xi32>
      tpu.vector_store %arg17[%swap3A_262], %swap3A_265 {strides = array<i32>} : memref<64xi32, #tpu.memory_space<vmem>>, vector<16xi32>,
      %get3A_266 = arith.constant 0 : i32
      %get3A_267 = arith.index_cast %get3A_266 : i32 to index
      %get3A_268 = arith.constant 96 : index
      %get3A_269 = tpu.vector_load %arg10[%get3A_267, %get3A_268] {strides = array<i32>} : memref<2x128xi32, #tpu.memory_space<vmem>>, vector<1x16xi32>,
      %get3A_270 = vector.shape_cast %get3A_269 : vector<1x16xi32> to vector<16xi32>
      %swap3A_271 = arith.constant 32 : index
      %swap3A_272 = tpu.vector_load %arg13[%swap3A_271] {strides = array<i32>} : memref<64xi32, #tpu.memory_space<vmem>>, vector<16xi32>,
      %swap3A_273 = vector.shape_cast %swap3A_272 : vector<16xi32> to vector<16xi32>
      %swap3A_274 = vector.shape_cast %get3A_270 : vector<16xi32> to vector<16xi32>
      tpu.vector_store %arg13[%swap3A_271], %swap3A_274 {strides = array<i32>} : memref<64xi32, #tpu.memory_space<vmem>>, vector<16xi32>,
      %get3A_275 = arith.constant 1 : i32
      %get3A_276 = arith.index_cast %get3A_275 : i32 to index
      %get3A_277 = arith.constant 96 : index
      %get3A_278 = tpu.vector_load %arg10[%get3A_276, %get3A_277] {strides = array<i32>} : memref<2x128xi32, #tpu.memory_space<vmem>>, vector<1x16xi32>,
      %get3A_279 = vector.shape_cast %get3A_278 : vector<1x16xi32> to vector<16xi32>
      %swap3A_280 = arith.constant 32 : index
      %swap3A_281 = tpu.vector_load %arg17[%swap3A_280] {strides = array<i32>} : memref<64xi32, #tpu.memory_space<vmem>>, vector<16xi32>,
      %swap3A_282 = vector.shape_cast %swap3A_281 : vector<16xi32> to vector<16xi32>
      %swap3A_283 = vector.shape_cast %get3A_279 : vector<16xi32> to vector<16xi32>
      tpu.vector_store %arg17[%swap3A_280], %swap3A_283 {strides = array<i32>} : memref<64xi32, #tpu.memory_space<vmem>>, vector<16xi32>,
      %get3A_284 = arith.constant 0 : i32
      %get3A_285 = arith.index_cast %get3A_284 : i32 to index
      %get3A_286 = arith.constant 112 : index
      %get3A_287 = tpu.vector_load %arg10[%get3A_285, %get3A_286] {strides = array<i32>} : memref<2x128xi32, #tpu.memory_space<vmem>>, vector<1x16xi32>,
      %get3A_288 = vector.shape_cast %get3A_287 : vector<1x16xi32> to vector<16xi32>
      %swap3A_289 = arith.constant 48 : index
      %swap3A_290 = tpu.vector_load %arg13[%swap3A_289] {strides = array<i32>} : memref<64xi32, #tpu.memory_space<vmem>>, vector<16xi32>,
      %swap3A_291 = vector.shape_cast %swap3A_290 : vector<16xi32> to vector<16xi32>
      %swap3A_292 = vector.shape_cast %get3A_288 : vector<16xi32> to vector<16xi32>
      tpu.vector_store %arg13[%swap3A_289], %swap3A_292 {strides = array<i32>} : memref<64xi32, #tpu.memory_space<vmem>>, vector<16xi32>,
      %get3A_293 = arith.constant 1 : i32
      %get3A_294 = arith.index_cast %get3A_293 : i32 to index
      %get3A_295 = arith.constant 112 : index
      %get3A_296 = tpu.vector_load %arg10[%get3A_294, %get3A_295] {strides = array<i32>} : memref<2x128xi32, #tpu.memory_space<vmem>>, vector<1x16xi32>,
      %get3A_297 = vector.shape_cast %get3A_296 : vector<1x16xi32> to vector<16xi32>
      %swap3A_298 = arith.constant 48 : index
      %swap3A_299 = tpu.vector_load %arg17[%swap3A_298] {strides = array<i32>} : memref<64xi32, #tpu.memory_space<vmem>>, vector<16xi32>,
      %swap3A_300 = vector.shape_cast %swap3A_299 : vector<16xi32> to vector<16xi32>
      %swap3A_301 = vector.shape_cast %get3A_297 : vector<16xi32> to vector<16xi32>
      tpu.vector_store %arg17[%swap3A_298], %swap3A_301 {strides = array<i32>} : memref<64xi32, #tpu.memory_space<vmem>>, vector<16xi32>,
      %add3A_302 = arith.constant 2 : i32
      %add3A_303 = arith.addi %mul3A_148, %add3A_302 : i32
      %lt3A_304 = arith.cmpi slt, %add3A_303, %add3A_30 : i32
      %convert_element_type3A_305 = arith.extui %lt3A_304 : i1 to i32
      %cond3A_306 = arith.constant 0 : i32
      %cond3A_307 = arith.cmpi ne, %convert_element_type3A_305, %cond3A_306 : i32
      scf.if %cond3A_307 {
        %add3A_519 = arith.constant 2 : i32
        %add3A_520 = arith.addi %add3A_146, %add3A_519 : i32
        %mul3A_521 = arith.constant 128 : i32
        %mul3A_522 = arith.muli %add3A_520, %mul3A_521 : i32
        %dma_start3A_523 = arith.constant 0 : i32
        %dma_start3A_524 = tpu.memref_slice %arg3[%dma_start3A_523, %mul3A_522] : memref<2x320000xi32, #tpu.memory_space<hbm>> -> memref<2x128xi32, #tpu.memory_space<hbm>>
        %dma_start3A_525 = arith.constant 0 : i32
        %dma_start3A_526 = tpu.memref_slice %arg3[%dma_start3A_525, %mul3A_522] : memref<2x320000xi32, #tpu.memory_space<hbm>> -> memref<2x128xi32, #tpu.memory_space<hbm>>
        tpu.enqueue_dma source(%dma_start3A_526 : memref<2x128xi32, #tpu.memory_space<hbm>>) target(%arg10 : memref<2x128xi32, #tpu.memory_space<vmem>>) target_semaphore(%arg25 : memref<!tpu.dma_semaphore, #tpu.memory_space<semaphore_mem>>)
      } else {
      }
      %dma_start3A_308 = arith.constant 0 : i32
      %dma_start3A_309 = arith.constant 0 : i32
      %dma_start3A_310 = tpu.memref_slice %arg2[%dma_start3A_308, %dma_start3A_309] : memref<10000x128xf32, #tpu.memory_space<hbm>> -> memref<10000x128xf32, #tpu.memory_space<hbm>>
      tpu.enqueue_indirect_dma source(%dma_start3A_310 : memref<10000x128xf32, #tpu.memory_space<hbm>>) target(%arg20 : memref<64x128xf32, #tpu.memory_space<vmem>>) offsets(%arg12 : memref<64xi32, #tpu.memory_space<vmem>>) semaphore(%arg27 : memref<!tpu.dma_semaphore, #tpu.memory_space<semaphore_mem>>)
      %dma_start3A_311 = arith.constant 0 : i32
      %dma_start3A_312 = arith.constant 0 : i32
      %dma_start3A_313 = tpu.memref_slice %arg2[%dma_start3A_311, %dma_start3A_312] : memref<10000x128xf32, #tpu.memory_space<hbm>> -> memref<10000x128xf32, #tpu.memory_space<hbm>>
      tpu.enqueue_indirect_dma source(%dma_start3A_313 : memref<10000x128xf32, #tpu.memory_space<hbm>>) target(%arg21 : memref<64x128xf32, #tpu.memory_space<vmem>>) offsets(%arg13 : memref<64xi32, #tpu.memory_space<vmem>>) semaphore(%arg28 : memref<!tpu.dma_semaphore, #tpu.memory_space<semaphore_mem>>)
      %add3A_314 = arith.constant 1 : i32
      %add3A_315 = arith.addi %add3A_146, %add3A_314 : i32
      %mul3A_316 = arith.constant 2 : i32
      %mul3A_317 = arith.muli %mul3A_316, %while3A_143 : i32
      %add3A_318 = arith.constant 1 : i32
      %add3A_319 = arith.addi %mul3A_317, %add3A_318 : i32
      %mul3A_320 = arith.constant 128 : i32
      %mul3A_321 = arith.muli %add3A_315, %mul3A_320 : i32
      %dma_wait3A_322 = arith.constant 0 : i32
      %dma_wait3A_323 = tpu.memref_slice %arg3[%dma_wait3A_322, %mul3A_321] : memref<2x320000xi32, #tpu.memory_space<hbm>> -> memref<2x128xi32, #tpu.memory_space<hbm>>
      %dma_wait3A_324 = arith.constant 0 : i32
      %dma_wait3A_325 = tpu.memref_slice %arg3[%dma_wait3A_324, %mul3A_321] : memref<2x320000xi32, #tpu.memory_space<hbm>> -> memref<2x128xi32, #tpu.memory_space<hbm>>
      tpu.wait_dma2 semaphore(%arg26 : memref<!tpu.dma_semaphore, #tpu.memory_space<semaphore_mem>>) src(%dma_wait3A_325 : memref<2x128xi32, #tpu.memory_space<hbm>>) dst(%arg11 : memref<2x128xi32, #tpu.memory_space<vmem>>)
      %gt3A_326 = arith.constant 0 : i32
      %gt3A_327 = arith.cmpi sgt, %while3A_143, %gt3A_326 : i32
      %convert_element_type3A_328 = arith.extui %gt3A_327 : i1 to i32
      %cond3A_329 = arith.constant 0 : i32
      %cond3A_330 = arith.cmpi ne, %convert_element_type3A_328, %cond3A_329 : i32
      scf.if %cond3A_330 {
        %dma_wait3A_519 = arith.constant 0 : i32
        %dma_wait3A_520 = arith.constant 0 : i32
        %dma_wait3A_521 = tpu.memref_slice %arg8[%dma_wait3A_519, %dma_wait3A_520] : memref<10240x128xf32, #tpu.memory_space<vmem_shared>> -> memref<10240x128xf32, #tpu.memory_space<vmem_shared>>
        tpu.wait_indirect_dma semaphore(%arg33 : memref<!tpu.dma_semaphore, #tpu.memory_space<semaphore_mem>>) src(%arg22 : memref<64x128xf32, #tpu.memory_space<vmem>>) dst(%dma_wait3A_521 : memref<10240x128xf32, #tpu.memory_space<vmem_shared>>)
        %dma_wait3A_522 = arith.constant 0 : i32
        %dma_wait3A_523 = tpu.memref_slice %arg9[%dma_wait3A_522] : memref<10240xf32, #tpu.memory_space<vmem_shared>> -> memref<10240xf32, #tpu.memory_space<vmem_shared>>
        tpu.wait_indirect_dma semaphore(%arg33 : memref<!tpu.dma_semaphore, #tpu.memory_space<semaphore_mem>>) src(%arg24 : memref<64xf32, #tpu.memory_space<vmem>>) dst(%dma_wait3A_523 : memref<10240xf32, #tpu.memory_space<vmem_shared>>)
        %dma_wait3A_524 = arith.constant 0 : i32
        %dma_wait3A_525 = arith.constant 0 : i32
        %dma_wait3A_526 = tpu.memref_slice %arg8[%dma_wait3A_524, %dma_wait3A_525] : memref<10240x128xf32, #tpu.memory_space<vmem_shared>> -> memref<10240x128xf32, #tpu.memory_space<vmem_shared>>
        tpu.wait_indirect_dma semaphore(%arg34 : memref<!tpu.dma_semaphore, #tpu.memory_space<semaphore_mem>>) src(%arg23 : memref<64x128xf32, #tpu.memory_space<vmem>>) dst(%dma_wait3A_526 : memref<10240x128xf32, #tpu.memory_space<vmem_shared>>)
        %dma_wait3A_527 = arith.constant 0 : i32
        %dma_wait3A_528 = tpu.memref_slice %arg9[%dma_wait3A_527] : memref<10240xf32, #tpu.memory_space<vmem_shared>> -> memref<10240xf32, #tpu.memory_space<vmem_shared>>
        tpu.wait_indirect_dma semaphore(%arg34 : memref<!tpu.dma_semaphore, #tpu.memory_space<semaphore_mem>>) src(%arg24 : memref<64xf32, #tpu.memory_space<vmem>>) dst(%dma_wait3A_528 : memref<10240xf32, #tpu.memory_space<vmem_shared>>)
      } else {
      }
      %get3A_331 = arith.constant 0 : i32
      %get3A_332 = arith.index_cast %get3A_331 : i32 to index
      %get3A_333 = arith.constant 0 : index
      %get3A_334 = tpu.vector_load %arg11[%get3A_332, %get3A_333] {strides = array<i32>} : memref<2x128xi32, #tpu.memory_space<vmem>>, vector<1x16xi32>,
      %get3A_335 = vector.shape_cast %get3A_334 : vector<1x16xi32> to vector<16xi32>
      %swap3A_336 = arith.constant 0 : index
      %swap3A_337 = tpu.vector_load %arg14[%swap3A_336] {strides = array<i32>} : memref<64xi32, #tpu.memory_space<vmem>>, vector<16xi32>,
      %swap3A_338 = vector.shape_cast %swap3A_337 : vector<16xi32> to vector<16xi32>
      %swap3A_339 = vector.shape_cast %get3A_335 : vector<16xi32> to vector<16xi32>
      tpu.vector_store %arg14[%swap3A_336], %swap3A_339 {strides = array<i32>} : memref<64xi32, #tpu.memory_space<vmem>>, vector<16xi32>,
      %get3A_340 = arith.constant 1 : i32
      %get3A_341 = arith.index_cast %get3A_340 : i32 to index
      %get3A_342 = arith.constant 0 : index
      %get3A_343 = tpu.vector_load %arg11[%get3A_341, %get3A_342] {strides = array<i32>} : memref<2x128xi32, #tpu.memory_space<vmem>>, vector<1x16xi32>,
      %get3A_344 = vector.shape_cast %get3A_343 : vector<1x16xi32> to vector<16xi32>
      %swap3A_345 = arith.constant 0 : index
      %swap3A_346 = tpu.vector_load %arg18[%swap3A_345] {strides = array<i32>} : memref<64xi32, #tpu.memory_space<vmem>>, vector<16xi32>,
      %swap3A_347 = vector.shape_cast %swap3A_346 : vector<16xi32> to vector<16xi32>
      %swap3A_348 = vector.shape_cast %get3A_344 : vector<16xi32> to vector<16xi32>
      tpu.vector_store %arg18[%swap3A_345], %swap3A_348 {strides = array<i32>} : memref<64xi32, #tpu.memory_space<vmem>>, vector<16xi32>,
      %get3A_349 = arith.constant 0 : i32
      %get3A_350 = arith.index_cast %get3A_349 : i32 to index
      %get3A_351 = arith.constant 16 : index
      %get3A_352 = tpu.vector_load %arg11[%get3A_350, %get3A_351] {strides = array<i32>} : memref<2x128xi32, #tpu.memory_space<vmem>>, vector<1x16xi32>,
      %get3A_353 = vector.shape_cast %get3A_352 : vector<1x16xi32> to vector<16xi32>
      %swap3A_354 = arith.constant 16 : index
      %swap3A_355 = tpu.vector_load %arg14[%swap3A_354] {strides = array<i32>} : memref<64xi32, #tpu.memory_space<vmem>>, vector<16xi32>,
      %swap3A_356 = vector.shape_cast %swap3A_355 : vector<16xi32> to vector<16xi32>
      %swap3A_357 = vector.shape_cast %get3A_353 : vector<16xi32> to vector<16xi32>
      tpu.vector_store %arg14[%swap3A_354], %swap3A_357 {strides = array<i32>} : memref<64xi32, #tpu.memory_space<vmem>>, vector<16xi32>,
      %get3A_358 = arith.constant 1 : i32
      %get3A_359 = arith.index_cast %get3A_358 : i32 to index
      %get3A_360 = arith.constant 16 : index
      %get3A_361 = tpu.vector_load %arg11[%get3A_359, %get3A_360] {strides = array<i32>} : memref<2x128xi32, #tpu.memory_space<vmem>>, vector<1x16xi32>,
      %get3A_362 = vector.shape_cast %get3A_361 : vector<1x16xi32> to vector<16xi32>
      %swap3A_363 = arith.constant 16 : index
      %swap3A_364 = tpu.vector_load %arg18[%swap3A_363] {strides = array<i32>} : memref<64xi32, #tpu.memory_space<vmem>>, vector<16xi32>,
      %swap3A_365 = vector.shape_cast %swap3A_364 : vector<16xi32> to vector<16xi32>
      %swap3A_366 = vector.shape_cast %get3A_362 : vector<16xi32> to vector<16xi32>
      tpu.vector_store %arg18[%swap3A_363], %swap3A_366 {strides = array<i32>} : memref<64xi32, #tpu.memory_space<vmem>>, vector<16xi32>,
      %get3A_367 = arith.constant 0 : i32
      %get3A_368 = arith.index_cast %get3A_367 : i32 to index
      %get3A_369 = arith.constant 32 : index
      %get3A_370 = tpu.vector_load %arg11[%get3A_368, %get3A_369] {strides = array<i32>} : memref<2x128xi32, #tpu.memory_space<vmem>>, vector<1x16xi32>,
      %get3A_371 = vector.shape_cast %get3A_370 : vector<1x16xi32> to vector<16xi32>
      %swap3A_372 = arith.constant 32 : index
      %swap3A_373 = tpu.vector_load %arg14[%swap3A_372] {strides = array<i32>} : memref<64xi32, #tpu.memory_space<vmem>>, vector<16xi32>,
      %swap3A_374 = vector.shape_cast %swap3A_373 : vector<16xi32> to vector<16xi32>
      %swap3A_375 = vector.shape_cast %get3A_371 : vector<16xi32> to vector<16xi32>
      tpu.vector_store %arg14[%swap3A_372], %swap3A_375 {strides = array<i32>} : memref<64xi32, #tpu.memory_space<vmem>>, vector<16xi32>,
      %get3A_376 = arith.constant 1 : i32
      %get3A_377 = arith.index_cast %get3A_376 : i32 to index
      %get3A_378 = arith.constant 32 : index
      %get3A_379 = tpu.vector_load %arg11[%get3A_377, %get3A_378] {strides = array<i32>} : memref<2x128xi32, #tpu.memory_space<vmem>>, vector<1x16xi32>,
      %get3A_380 = vector.shape_cast %get3A_379 : vector<1x16xi32> to vector<16xi32>
      %swap3A_381 = arith.constant 32 : index
      %swap3A_382 = tpu.vector_load %arg18[%swap3A_381] {strides = array<i32>} : memref<64xi32, #tpu.memory_space<vmem>>, vector<16xi32>,
      %swap3A_383 = vector.shape_cast %swap3A_382 : vector<16xi32> to vector<16xi32>
      %swap3A_384 = vector.shape_cast %get3A_380 : vector<16xi32> to vector<16xi32>
      tpu.vector_store %arg18[%swap3A_381], %swap3A_384 {strides = array<i32>} : memref<64xi32, #tpu.memory_space<vmem>>, vector<16xi32>,
      %get3A_385 = arith.constant 0 : i32
      %get3A_386 = arith.index_cast %get3A_385 : i32 to index
      %get3A_387 = arith.constant 48 : index
      %get3A_388 = tpu.vector_load %arg11[%get3A_386, %get3A_387] {strides = array<i32>} : memref<2x128xi32, #tpu.memory_space<vmem>>, vector<1x16xi32>,
      %get3A_389 = vector.shape_cast %get3A_388 : vector<1x16xi32> to vector<16xi32>
      %swap3A_390 = arith.constant 48 : index
      %swap3A_391 = tpu.vector_load %arg14[%swap3A_390] {strides = array<i32>} : memref<64xi32, #tpu.memory_space<vmem>>, vector<16xi32>,
      %swap3A_392 = vector.shape_cast %swap3A_391 : vector<16xi32> to vector<16xi32>
      %swap3A_393 = vector.shape_cast %get3A_389 : vector<16xi32> to vector<16xi32>
      tpu.vector_store %arg14[%swap3A_390], %swap3A_393 {strides = array<i32>} : memref<64xi32, #tpu.memory_space<vmem>>, vector<16xi32>,
      %get3A_394 = arith.constant 1 : i32
      %get3A_395 = arith.index_cast %get3A_394 : i32 to index
      %get3A_396 = arith.constant 48 : index
      %get3A_397 = tpu.vector_load %arg11[%get3A_395, %get3A_396] {strides = array<i32>} : memref<2x128xi32, #tpu.memory_space<vmem>>, vector<1x16xi32>,
      %get3A_398 = vector.shape_cast %get3A_397 : vector<1x16xi32> to vector<16xi32>
      %swap3A_399 = arith.constant 48 : index
      %swap3A_400 = tpu.vector_load %arg18[%swap3A_399] {strides = array<i32>} : memref<64xi32, #tpu.memory_space<vmem>>, vector<16xi32>,
      %swap3A_401 = vector.shape_cast %swap3A_400 : vector<16xi32> to vector<16xi32>
      %swap3A_402 = vector.shape_cast %get3A_398 : vector<16xi32> to vector<16xi32>
      tpu.vector_store %arg18[%swap3A_399], %swap3A_402 {strides = array<i32>} : memref<64xi32, #tpu.memory_space<vmem>>, vector<16xi32>,
      %get3A_403 = arith.constant 0 : i32
      %get3A_404 = arith.index_cast %get3A_403 : i32 to index
      %get3A_405 = arith.constant 64 : index
      %get3A_406 = tpu.vector_load %arg11[%get3A_404, %get3A_405] {strides = array<i32>} : memref<2x128xi32, #tpu.memory_space<vmem>>, vector<1x16xi32>,
      %get3A_407 = vector.shape_cast %get3A_406 : vector<1x16xi32> to vector<16xi32>
      %swap3A_408 = arith.constant 0 : index
      %swap3A_409 = tpu.vector_load %arg15[%swap3A_408] {strides = array<i32>} : memref<64xi32, #tpu.memory_space<vmem>>, vector<16xi32>,
      %swap3A_410 = vector.shape_cast %swap3A_409 : vector<16xi32> to vector<16xi32>
      %swap3A_411 = vector.shape_cast %get3A_407 : vector<16xi32> to vector<16xi32>
      tpu.vector_store %arg15[%swap3A_408], %swap3A_411 {strides = array<i32>} : memref<64xi32, #tpu.memory_space<vmem>>, vector<16xi32>,
      %get3A_412 = arith.constant 1 : i32
      %get3A_413 = arith.index_cast %get3A_412 : i32 to index
      %get3A_414 = arith.constant 64 : index
      %get3A_415 = tpu.vector_load %arg11[%get3A_413, %get3A_414] {strides = array<i32>} : memref<2x128xi32, #tpu.memory_space<vmem>>, vector<1x16xi32>,
      %get3A_416 = vector.shape_cast %get3A_415 : vector<1x16xi32> to vector<16xi32>
      %swap3A_417 = arith.constant 0 : index
      %swap3A_418 = tpu.vector_load %arg19[%swap3A_417] {strides = array<i32>} : memref<64xi32, #tpu.memory_space<vmem>>, vector<16xi32>,
      %swap3A_419 = vector.shape_cast %swap3A_418 : vector<16xi32> to vector<16xi32>
      %swap3A_420 = vector.shape_cast %get3A_416 : vector<16xi32> to vector<16xi32>
      tpu.vector_store %arg19[%swap3A_417], %swap3A_420 {strides = array<i32>} : memref<64xi32, #tpu.memory_space<vmem>>, vector<16xi32>,
      %get3A_421 = arith.constant 0 : i32
      %get3A_422 = arith.index_cast %get3A_421 : i32 to index
      %get3A_423 = arith.constant 80 : index
      %get3A_424 = tpu.vector_load %arg11[%get3A_422, %get3A_423] {strides = array<i32>} : memref<2x128xi32, #tpu.memory_space<vmem>>, vector<1x16xi32>,
      %get3A_425 = vector.shape_cast %get3A_424 : vector<1x16xi32> to vector<16xi32>
      %swap3A_426 = arith.constant 16 : index
      %swap3A_427 = tpu.vector_load %arg15[%swap3A_426] {strides = array<i32>} : memref<64xi32, #tpu.memory_space<vmem>>, vector<16xi32>,
      %swap3A_428 = vector.shape_cast %swap3A_427 : vector<16xi32> to vector<16xi32>
      %swap3A_429 = vector.shape_cast %get3A_425 : vector<16xi32> to vector<16xi32>
      tpu.vector_store %arg15[%swap3A_426], %swap3A_429 {strides = array<i32>} : memref<64xi32, #tpu.memory_space<vmem>>, vector<16xi32>,
      %get3A_430 = arith.constant 1 : i32
      %get3A_431 = arith.index_cast %get3A_430 : i32 to index
      %get3A_432 = arith.constant 80 : index
      %get3A_433 = tpu.vector_load %arg11[%get3A_431, %get3A_432] {strides = array<i32>} : memref<2x128xi32, #tpu.memory_space<vmem>>, vector<1x16xi32>,
      %get3A_434 = vector.shape_cast %get3A_433 : vector<1x16xi32> to vector<16xi32>
      %swap3A_435 = arith.constant 16 : index
      %swap3A_436 = tpu.vector_load %arg19[%swap3A_435] {strides = array<i32>} : memref<64xi32, #tpu.memory_space<vmem>>, vector<16xi32>,
      %swap3A_437 = vector.shape_cast %swap3A_436 : vector<16xi32> to vector<16xi32>
      %swap3A_438 = vector.shape_cast %get3A_434 : vector<16xi32> to vector<16xi32>
      tpu.vector_store %arg19[%swap3A_435], %swap3A_438 {strides = array<i32>} : memref<64xi32, #tpu.memory_space<vmem>>, vector<16xi32>,
      %get3A_439 = arith.constant 0 : i32
      %get3A_440 = arith.index_cast %get3A_439 : i32 to index
      %get3A_441 = arith.constant 96 : index
      %get3A_442 = tpu.vector_load %arg11[%get3A_440, %get3A_441] {strides = array<i32>} : memref<2x128xi32, #tpu.memory_space<vmem>>, vector<1x16xi32>,
      %get3A_443 = vector.shape_cast %get3A_442 : vector<1x16xi32> to vector<16xi32>
      %swap3A_444 = arith.constant 32 : index
      %swap3A_445 = tpu.vector_load %arg15[%swap3A_444] {strides = array<i32>} : memref<64xi32, #tpu.memory_space<vmem>>, vector<16xi32>,
      %swap3A_446 = vector.shape_cast %swap3A_445 : vector<16xi32> to vector<16xi32>
      %swap3A_447 = vector.shape_cast %get3A_443 : vector<16xi32> to vector<16xi32>
      tpu.vector_store %arg15[%swap3A_444], %swap3A_447 {strides = array<i32>} : memref<64xi32, #tpu.memory_space<vmem>>, vector<16xi32>,
      %get3A_448 = arith.constant 1 : i32
      %get3A_449 = arith.index_cast %get3A_448 : i32 to index
      %get3A_450 = arith.constant 96 : index
      %get3A_451 = tpu.vector_load %arg11[%get3A_449, %get3A_450] {strides = array<i32>} : memref<2x128xi32, #tpu.memory_space<vmem>>, vector<1x16xi32>,
      %get3A_452 = vector.shape_cast %get3A_451 : vector<1x16xi32> to vector<16xi32>
      %swap3A_453 = arith.constant 32 : index
      %swap3A_454 = tpu.vector_load %arg19[%swap3A_453] {strides = array<i32>} : memref<64xi32, #tpu.memory_space<vmem>>, vector<16xi32>,
      %swap3A_455 = vector.shape_cast %swap3A_454 : vector<16xi32> to vector<16xi32>
      %swap3A_456 = vector.shape_cast %get3A_452 : vector<16xi32> to vector<16xi32>
      tpu.vector_store %arg19[%swap3A_453], %swap3A_456 {strides = array<i32>} : memref<64xi32, #tpu.memory_space<vmem>>, vector<16xi32>,
      %get3A_457 = arith.constant 0 : i32
      %get3A_458 = arith.index_cast %get3A_457 : i32 to index
      %get3A_459 = arith.constant 112 : index
      %get3A_460 = tpu.vector_load %arg11[%get3A_458, %get3A_459] {strides = array<i32>} : memref<2x128xi32, #tpu.memory_space<vmem>>, vector<1x16xi32>,
      %get3A_461 = vector.shape_cast %get3A_460 : vector<1x16xi32> to vector<16xi32>
      %swap3A_462 = arith.constant 48 : index
      %swap3A_463 = tpu.vector_load %arg15[%swap3A_462] {strides = array<i32>} : memref<64xi32, #tpu.memory_space<vmem>>, vector<16xi32>,
      %swap3A_464 = vector.shape_cast %swap3A_463 : vector<16xi32> to vector<16xi32>
      %swap3A_465 = vector.shape_cast %get3A_461 : vector<16xi32> to vector<16xi32>
      tpu.vector_store %arg15[%swap3A_462], %swap3A_465 {strides = array<i32>} : memref<64xi32, #tpu.memory_space<vmem>>, vector<16xi32>,
      %get3A_466 = arith.constant 1 : i32
      %get3A_467 = arith.index_cast %get3A_466 : i32 to index
      %get3A_468 = arith.constant 112 : index
      %get3A_469 = tpu.vector_load %arg11[%get3A_467, %get3A_468] {strides = array<i32>} : memref<2x128xi32, #tpu.memory_space<vmem>>, vector<1x16xi32>,
      %get3A_470 = vector.shape_cast %get3A_469 : vector<1x16xi32> to vector<16xi32>
      %swap3A_471 = arith.constant 48 : index
      %swap3A_472 = tpu.vector_load %arg19[%swap3A_471] {strides = array<i32>} : memref<64xi32, #tpu.memory_space<vmem>>, vector<16xi32>,
      %swap3A_473 = vector.shape_cast %swap3A_472 : vector<16xi32> to vector<16xi32>
      %swap3A_474 = vector.shape_cast %get3A_470 : vector<16xi32> to vector<16xi32>
      tpu.vector_store %arg19[%swap3A_471], %swap3A_474 {strides = array<i32>} : memref<64xi32, #tpu.memory_space<vmem>>, vector<16xi32>,
      %add3A_475 = arith.constant 2 : i32
      %add3A_476 = arith.addi %add3A_319, %add3A_475 : i32
      %lt3A_477 = arith.cmpi slt, %add3A_476, %add3A_30 : i32
      %convert_element_type3A_478 = arith.extui %lt3A_477 : i1 to i32
      %cond3A_479 = arith.constant 0 : i32
      %cond3A_480 = arith.cmpi ne, %convert_element_type3A_478, %cond3A_479 : i32
      scf.if %cond3A_480 {
        %add3A_519 = arith.constant 2 : i32
        %add3A_520 = arith.addi %add3A_315, %add3A_519 : i32
        %mul3A_521 = arith.constant 128 : i32
        %mul3A_522 = arith.muli %add3A_520, %mul3A_521 : i32
        %dma_start3A_523 = arith.constant 0 : i32
        %dma_start3A_524 = tpu.memref_slice %arg3[%dma_start3A_523, %mul3A_522] : memref<2x320000xi32, #tpu.memory_space<hbm>> -> memref<2x128xi32, #tpu.memory_space<hbm>>
        %dma_start3A_525 = arith.constant 0 : i32
        %dma_start3A_526 = tpu.memref_slice %arg3[%dma_start3A_525, %mul3A_522] : memref<2x320000xi32, #tpu.memory_space<hbm>> -> memref<2x128xi32, #tpu.memory_space<hbm>>
        tpu.enqueue_dma source(%dma_start3A_526 : memref<2x128xi32, #tpu.memory_space<hbm>>) target(%arg11 : memref<2x128xi32, #tpu.memory_space<vmem>>) target_semaphore(%arg26 : memref<!tpu.dma_semaphore, #tpu.memory_space<semaphore_mem>>)
      } else {
      }
      %dma_start3A_481 = arith.constant 0 : i32
      %dma_start3A_482 = arith.constant 0 : i32
      %dma_start3A_483 = tpu.memref_slice %arg2[%dma_start3A_481, %dma_start3A_482] : memref<10000x128xf32, #tpu.memory_space<hbm>> -> memref<10000x128xf32, #tpu.memory_space<hbm>>
      tpu.enqueue_indirect_dma source(%dma_start3A_483 : memref<10000x128xf32, #tpu.memory_space<hbm>>) target(%arg22 : memref<64x128xf32, #tpu.memory_space<vmem>>) offsets(%arg14 : memref<64xi32, #tpu.memory_space<vmem>>) semaphore(%arg29 : memref<!tpu.dma_semaphore, #tpu.memory_space<semaphore_mem>>)
      %dma_start3A_484 = arith.constant 0 : i32
      %dma_start3A_485 = arith.constant 0 : i32
      %dma_start3A_486 = tpu.memref_slice %arg2[%dma_start3A_484, %dma_start3A_485] : memref<10000x128xf32, #tpu.memory_space<hbm>> -> memref<10000x128xf32, #tpu.memory_space<hbm>>
      tpu.enqueue_indirect_dma source(%dma_start3A_486 : memref<10000x128xf32, #tpu.memory_space<hbm>>) target(%arg23 : memref<64x128xf32, #tpu.memory_space<vmem>>) offsets(%arg15 : memref<64xi32, #tpu.memory_space<vmem>>) semaphore(%arg30 : memref<!tpu.dma_semaphore, #tpu.memory_space<semaphore_mem>>)
      %dma_wait3A_487 = arith.constant 0 : i32
      %dma_wait3A_488 = arith.constant 0 : i32
      %dma_wait3A_489 = tpu.memref_slice %arg2[%dma_wait3A_487, %dma_wait3A_488] : memref<10000x128xf32, #tpu.memory_space<hbm>> -> memref<10000x128xf32, #tpu.memory_space<hbm>>
      tpu.wait_indirect_dma semaphore(%arg27 : memref<!tpu.dma_semaphore, #tpu.memory_space<semaphore_mem>>) src(%dma_wait3A_489 : memref<10000x128xf32, #tpu.memory_space<hbm>>) dst(%arg20 : memref<64x128xf32, #tpu.memory_space<vmem>>)
      %dma_start3A_490 = arith.constant 0 : i32
      %dma_start3A_491 = arith.constant 0 : i32
      %dma_start3A_492 = tpu.memref_slice %arg8[%dma_start3A_490, %dma_start3A_491] : memref<10240x128xf32, #tpu.memory_space<vmem_shared>> -> memref<10240x128xf32, #tpu.memory_space<vmem_shared>>
      tpu.enqueue_indirect_dma source(%arg20 : memref<64x128xf32, #tpu.memory_space<vmem>>) target(%dma_start3A_492 : memref<10240x128xf32, #tpu.memory_space<vmem_shared>>) offsets(%arg16 : memref<64xi32, #tpu.memory_space<vmem>>) semaphore(%arg31 : memref<!tpu.dma_semaphore, #tpu.memory_space<semaphore_mem>>) {add = true}
      %dma_start3A_493 = arith.constant 0 : i32
      %dma_start3A_494 = tpu.memref_slice %arg9[%dma_start3A_493] : memref<10240xf32, #tpu.memory_space<vmem_shared>> -> memref<10240xf32, #tpu.memory_space<vmem_shared>>
      tpu.enqueue_indirect_dma source(%arg24 : memref<64xf32, #tpu.memory_space<vmem>>) target(%dma_start3A_494 : memref<10240xf32, #tpu.memory_space<vmem_shared>>) offsets(%arg16 : memref<64xi32, #tpu.memory_space<vmem>>) semaphore(%arg31 : memref<!tpu.dma_semaphore, #tpu.memory_space<semaphore_mem>>) {add = true}
      %dma_wait3A_495 = arith.constant 0 : i32
      %dma_wait3A_496 = arith.constant 0 : i32
      %dma_wait3A_497 = tpu.memref_slice %arg2[%dma_wait3A_495, %dma_wait3A_496] : memref<10000x128xf32, #tpu.memory_space<hbm>> -> memref<10000x128xf32, #tpu.memory_space<hbm>>
      tpu.wait_indirect_dma semaphore(%arg28 : memref<!tpu.dma_semaphore, #tpu.memory_space<semaphore_mem>>) src(%dma_wait3A_497 : memref<10000x128xf32, #tpu.memory_space<hbm>>) dst(%arg21 : memref<64x128xf32, #tpu.memory_space<vmem>>)
      %dma_start3A_498 = arith.constant 0 : i32
      %dma_start3A_499 = arith.constant 0 : i32
      %dma_start3A_500 = tpu.memref_slice %arg8[%dma_start3A_498, %dma_start3A_499] : memref<10240x128xf32, #tpu.memory_space<vmem_shared>> -> memref<10240x128xf32, #tpu.memory_space<vmem_shared>>
      tpu.enqueue_indirect_dma source(%arg21 : memref<64x128xf32, #tpu.memory_space<vmem>>) target(%dma_start3A_500 : memref<10240x128xf32, #tpu.memory_space<vmem_shared>>) offsets(%arg17 : memref<64xi32, #tpu.memory_space<vmem>>) semaphore(%arg32 : memref<!tpu.dma_semaphore, #tpu.memory_space<semaphore_mem>>) {add = true}
      %dma_start3A_501 = arith.constant 0 : i32
      %dma_start3A_502 = tpu.memref_slice %arg9[%dma_start3A_501] : memref<10240xf32, #tpu.memory_space<vmem_shared>> -> memref<10240xf32, #tpu.memory_space<vmem_shared>>
      tpu.enqueue_indirect_dma source(%arg24 : memref<64xf32, #tpu.memory_space<vmem>>) target(%dma_start3A_502 : memref<10240xf32, #tpu.memory_space<vmem_shared>>) offsets(%arg17 : memref<64xi32, #tpu.memory_space<vmem>>) semaphore(%arg32 : memref<!tpu.dma_semaphore, #tpu.memory_space<semaphore_mem>>) {add = true}
      %dma_wait3A_503 = arith.constant 0 : i32
      %dma_wait3A_504 = arith.constant 0 : i32
      %dma_wait3A_505 = tpu.memref_slice %arg2[%dma_wait3A_503, %dma_wait3A_504] : memref<10000x128xf32, #tpu.memory_space<hbm>> -> memref<10000x128xf32, #tpu.memory_space<hbm>>
      tpu.wait_indirect_dma semaphore(%arg29 : memref<!tpu.dma_semaphore, #tpu.memory_space<semaphore_mem>>) src(%dma_wait3A_505 : memref<10000x128xf32, #tpu.memory_space<hbm>>) dst(%arg22 : memref<64x128xf32, #tpu.memory_space<vmem>>)
      %dma_start3A_506 = arith.constant 0 : i32
      %dma_start3A_507 = arith.constant 0 : i32
      %dma_start3A_508 = tpu.memref_slice %arg8[%dma_start3A_506, %dma_start3A_507] : memref<10240x128xf32, #tpu.memory_space<vmem_shared>> -> memref<10240x128xf32, #tpu.memory_space<vmem_shared>>
      tpu.enqueue_indirect_dma source(%arg22 : memref<64x128xf32, #tpu.memory_space<vmem>>) target(%dma_start3A_508 : memref<10240x128xf32, #tpu.memory_space<vmem_shared>>) offsets(%arg18 : memref<64xi32, #tpu.memory_space<vmem>>) semaphore(%arg33 : memref<!tpu.dma_semaphore, #tpu.memory_space<semaphore_mem>>) {add = true}
      %dma_start3A_509 = arith.constant 0 : i32
      %dma_start3A_510 = tpu.memref_slice %arg9[%dma_start3A_509] : memref<10240xf32, #tpu.memory_space<vmem_shared>> -> memref<10240xf32, #tpu.memory_space<vmem_shared>>
      tpu.enqueue_indirect_dma source(%arg24 : memref<64xf32, #tpu.memory_space<vmem>>) target(%dma_start3A_510 : memref<10240xf32, #tpu.memory_space<vmem_shared>>) offsets(%arg18 : memref<64xi32, #tpu.memory_space<vmem>>) semaphore(%arg33 : memref<!tpu.dma_semaphore, #tpu.memory_space<semaphore_mem>>) {add = true}
      %dma_wait3A_511 = arith.constant 0 : i32
      %dma_wait3A_512 = arith.constant 0 : i32
      %dma_wait3A_513 = tpu.memref_slice %arg2[%dma_wait3A_511, %dma_wait3A_512] : memref<10000x128xf32, #tpu.memory_space<hbm>> -> memref<10000x128xf32, #tpu.memory_space<hbm>>
      tpu.wait_indirect_dma semaphore(%arg30 : memref<!tpu.dma_semaphore, #tpu.memory_space<semaphore_mem>>) src(%dma_wait3A_513 : memref<10000x128xf32, #tpu.memory_space<hbm>>) dst(%arg23 : memref<64x128xf32, #tpu.memory_space<vmem>>)
      %dma_start3A_514 = arith.constant 0 : i32
      %dma_start3A_515 = arith.constant 0 : i32
      %dma_start3A_516 = tpu.memref_slice %arg8[%dma_start3A_514, %dma_start3A_515] : memref<10240x128xf32, #tpu.memory_space<vmem_shared>> -> memref<10240x128xf32, #tpu.memory_space<vmem_shared>>
      tpu.enqueue_indirect_dma source(%arg23 : memref<64x128xf32, #tpu.memory_space<vmem>>) target(%dma_start3A_516 : memref<10240x128xf32, #tpu.memory_space<vmem_shared>>) offsets(%arg19 : memref<64xi32, #tpu.memory_space<vmem>>) semaphore(%arg34 : memref<!tpu.dma_semaphore, #tpu.memory_space<semaphore_mem>>) {add = true}
      %dma_start3A_517 = arith.constant 0 : i32
      %dma_start3A_518 = tpu.memref_slice %arg9[%dma_start3A_517] : memref<10240xf32, #tpu.memory_space<vmem_shared>> -> memref<10240xf32, #tpu.memory_space<vmem_shared>>
      tpu.enqueue_indirect_dma source(%arg24 : memref<64xf32, #tpu.memory_space<vmem>>) target(%dma_start3A_518 : memref<10240xf32, #tpu.memory_space<vmem_shared>>) offsets(%arg19 : memref<64xi32, #tpu.memory_space<vmem>>) semaphore(%arg34 : memref<!tpu.dma_semaphore, #tpu.memory_space<semaphore_mem>>) {add = true}
    }
    %while3A_76 = arith.constant 1 : i32
    scf.for %while3A_143 = %while3A_74 to %while3A_70 step %while3A_76  : i32 {
      %mul3A_144 = arith.constant 2 : i32
      %mul3A_145 = arith.muli %mul3A_144, %while3A_143 : i32
      %add3A_146 = arith.addi %add3A_34, %mul3A_145 : i32
      %mul3A_147 = arith.constant 2 : i32
      %mul3A_148 = arith.muli %mul3A_147, %while3A_143 : i32
      %mul3A_149 = arith.constant 128 : i32
      %mul3A_150 = arith.muli %add3A_146, %mul3A_149 : i32
      %dma_wait3A_151 = arith.constant 0 : i32
      %dma_wait3A_152 = tpu.memref_slice %arg3[%dma_wait3A_151, %mul3A_150] : memref<2x320000xi32, #tpu.memory_space<hbm>> -> memref<2x128xi32, #tpu.memory_space<hbm>>
      %dma_wait3A_153 = arith.constant 0 : i32
      %dma_wait3A_154 = tpu.memref_slice %arg3[%dma_wait3A_153, %mul3A_150] : memref<2x320000xi32, #tpu.memory_space<hbm>> -> memref<2x128xi32, #tpu.memory_space<hbm>>
      tpu.wait_dma2 semaphore(%arg25 : memref<!tpu.dma_semaphore, #tpu.memory_space<semaphore_mem>>) src(%dma_wait3A_154 : memref<2x128xi32, #tpu.memory_space<hbm>>) dst(%arg10 : memref<2x128xi32, #tpu.memory_space<vmem>>)
      %gt3A = arith.constant 0 : i32
      %gt3A_155 = arith.cmpi sgt, %while3A_143, %gt3A : i32
      %convert_element_type3A_156 = arith.extui %gt3A_155 : i1 to i32
      %cond3A_157 = arith.constant 0 : i32
      %cond3A_158 = arith.cmpi ne, %convert_element_type3A_156, %cond3A_157 : i32
      scf.if %cond3A_158 {
        %dma_wait3A_519 = arith.constant 0 : i32
        %dma_wait3A_520 = arith.constant 0 : i32
        %dma_wait3A_521 = tpu.memref_slice %arg8[%dma_wait3A_519, %dma_wait3A_520] : memref<10240x128xf32, #tpu.memory_space<vmem_shared>> -> memref<10240x128xf32, #tpu.memory_space<vmem_shared>>
        tpu.wait_indirect_dma semaphore(%arg31 : memref<!tpu.dma_semaphore, #tpu.memory_space<semaphore_mem>>) src(%arg20 : memref<64x128xf32, #tpu.memory_space<vmem>>) dst(%dma_wait3A_521 : memref<10240x128xf32, #tpu.memory_space<vmem_shared>>)
        %dma_wait3A_522 = arith.constant 0 : i32
        %dma_wait3A_523 = tpu.memref_slice %arg9[%dma_wait3A_522] : memref<10240xf32, #tpu.memory_space<vmem_shared>> -> memref<10240xf32, #tpu.memory_space<vmem_shared>>
        tpu.wait_indirect_dma semaphore(%arg31 : memref<!tpu.dma_semaphore, #tpu.memory_space<semaphore_mem>>) src(%arg24 : memref<64xf32, #tpu.memory_space<vmem>>) dst(%dma_wait3A_523 : memref<10240xf32, #tpu.memory_space<vmem_shared>>)
        %dma_wait3A_524 = arith.constant 0 : i32
        %dma_wait3A_525 = arith.constant 0 : i32
        %dma_wait3A_526 = tpu.memref_slice %arg8[%dma_wait3A_524, %dma_wait3A_525] : memref<10240x128xf32, #tpu.memory_space<vmem_shared>> -> memref<10240x128xf32, #tpu.memory_space<vmem_shared>>
        tpu.wait_indirect_dma semaphore(%arg32 : memref<!tpu.dma_semaphore, #tpu.memory_space<semaphore_mem>>) src(%arg21 : memref<64x128xf32, #tpu.memory_space<vmem>>) dst(%dma_wait3A_526 : memref<10240x128xf32, #tpu.memory_space<vmem_shared>>)
        %dma_wait3A_527 = arith.constant 0 : i32
        %dma_wait3A_528 = tpu.memref_slice %arg9[%dma_wait3A_527] : memref<10240xf32, #tpu.memory_space<vmem_shared>> -> memref<10240xf32, #tpu.memory_space<vmem_shared>>
        tpu.wait_indirect_dma semaphore(%arg32 : memref<!tpu.dma_semaphore, #tpu.memory_space<semaphore_mem>>) src(%arg24 : memref<64xf32, #tpu.memory_space<vmem>>) dst(%dma_wait3A_528 : memref<10240xf32, #tpu.memory_space<vmem_shared>>)
      } else {
      }
      %get3A = arith.constant 0 : i32
      %get3A_159 = arith.index_cast %get3A : i32 to index
      %get3A_160 = arith.constant 0 : index
      %get3A_161 = tpu.vector_load %arg10[%get3A_159, %get3A_160] {strides = array<i32>} : memref<2x128xi32, #tpu.memory_space<vmem>>, vector<1x16xi32>,
      %get3A_162 = vector.shape_cast %get3A_161 : vector<1x16xi32> to vector<16xi32>
      %swap3A_163 = arith.constant 0 : index
      %swap3A_164 = tpu.vector_load %arg12[%swap3A_163] {strides = array<i32>} : memref<64xi32, #tpu.memory_space<vmem>>, vector<16xi32>,
      %swap3A_165 = vector.shape_cast %swap3A_164 : vector<16xi32> to vector<16xi32>
      %swap3A_166 = vector.shape_cast %get3A_162 : vector<16xi32> to vector<16xi32>
      tpu.vector_store %arg12[%swap3A_163], %swap3A_166 {strides = array<i32>} : memref<64xi32, #tpu.memory_space<vmem>>, vector<16xi32>,
      %get3A_167 = arith.constant 1 : i32
      %get3A_168 = arith.index_cast %get3A_167 : i32 to index
      %get3A_169 = arith.constant 0 : index
      %get3A_170 = tpu.vector_load %arg10[%get3A_168, %get3A_169] {strides = array<i32>} : memref<2x128xi32, #tpu.memory_space<vmem>>, vector<1x16xi32>,
      %get3A_171 = vector.shape_cast %get3A_170 : vector<1x16xi32> to vector<16xi32>
      %swap3A_172 = arith.constant 0 : index
      %swap3A_173 = tpu.vector_load %arg16[%swap3A_172] {strides = array<i32>} : memref<64xi32, #tpu.memory_space<vmem>>, vector<16xi32>,
      %swap3A_174 = vector.shape_cast %swap3A_173 : vector<16xi32> to vector<16xi32>
      %swap3A_175 = vector.shape_cast %get3A_171 : vector<16xi32> to vector<16xi32>
      tpu.vector_store %arg16[%swap3A_172], %swap3A_175 {strides = array<i32>} : memref<64xi32, #tpu.memory_space<vmem>>, vector<16xi32>,
      %get3A_176 = arith.constant 0 : i32
      %get3A_177 = arith.index_cast %get3A_176 : i32 to index
      %get3A_178 = arith.constant 16 : index
      %get3A_179 = tpu.vector_load %arg10[%get3A_177, %get3A_178] {strides = array<i32>} : memref<2x128xi32, #tpu.memory_space<vmem>>, vector<1x16xi32>,
      %get3A_180 = vector.shape_cast %get3A_179 : vector<1x16xi32> to vector<16xi32>
      %swap3A_181 = arith.constant 16 : index
      %swap3A_182 = tpu.vector_load %arg12[%swap3A_181] {strides = array<i32>} : memref<64xi32, #tpu.memory_space<vmem>>, vector<16xi32>,
      %swap3A_183 = vector.shape_cast %swap3A_182 : vector<16xi32> to vector<16xi32>
      %swap3A_184 = vector.shape_cast %get3A_180 : vector<16xi32> to vector<16xi32>
      tpu.vector_store %arg12[%swap3A_181], %swap3A_184 {strides = array<i32>} : memref<64xi32, #tpu.memory_space<vmem>>, vector<16xi32>,
      %get3A_185 = arith.constant 1 : i32
      %get3A_186 = arith.index_cast %get3A_185 : i32 to index
      %get3A_187 = arith.constant 16 : index
      %get3A_188 = tpu.vector_load %arg10[%get3A_186, %get3A_187] {strides = array<i32>} : memref<2x128xi32, #tpu.memory_space<vmem>>, vector<1x16xi32>,
      %get3A_189 = vector.shape_cast %get3A_188 : vector<1x16xi32> to vector<16xi32>
      %swap3A_190 = arith.constant 16 : index
      %swap3A_191 = tpu.vector_load %arg16[%swap3A_190] {strides = array<i32>} : memref<64xi32, #tpu.memory_space<vmem>>, vector<16xi32>,
      %swap3A_192 = vector.shape_cast %swap3A_191 : vector<16xi32> to vector<16xi32>
      %swap3A_193 = vector.shape_cast %get3A_189 : vector<16xi32> to vector<16xi32>
      tpu.vector_store %arg16[%swap3A_190], %swap3A_193 {strides = array<i32>} : memref<64xi32, #tpu.memory_space<vmem>>, vector<16xi32>,
      %get3A_194 = arith.constant 0 : i32
      %get3A_195 = arith.index_cast %get3A_194 : i32 to index
      %get3A_196 = arith.constant 32 : index
      %get3A_197 = tpu.vector_load %arg10[%get3A_195, %get3A_196] {strides = array<i32>} : memref<2x128xi32, #tpu.memory_space<vmem>>, vector<1x16xi32>,
      %get3A_198 = vector.shape_cast %get3A_197 : vector<1x16xi32> to vector<16xi32>
      %swap3A_199 = arith.constant 32 : index
      %swap3A_200 = tpu.vector_load %arg12[%swap3A_199] {strides = array<i32>} : memref<64xi32, #tpu.memory_space<vmem>>, vector<16xi32>,
      %swap3A_201 = vector.shape_cast %swap3A_200 : vector<16xi32> to vector<16xi32>
      %swap3A_202 = vector.shape_cast %get3A_198 : vector<16xi32> to vector<16xi32>
      tpu.vector_store %arg12[%swap3A_199], %swap3A_202 {strides = array<i32>} : memref<64xi32, #tpu.memory_space<vmem>>, vector<16xi32>,
      %get3A_203 = arith.constant 1 : i32
      %get3A_204 = arith.index_cast %get3A_203 : i32 to index
      %get3A_205 = arith.constant 32 : index
      %get3A_206 = tpu.vector_load %arg10[%get3A_204, %get3A_205] {strides = array<i32>} : memref<2x128xi32, #tpu.memory_space<vmem>>, vector<1x16xi32>,
      %get3A_207 = vector.shape_cast %get3A_206 : vector<1x16xi32> to vector<16xi32>
      %swap3A_208 = arith.constant 32 : index
      %swap3A_209 = tpu.vector_load %arg16[%swap3A_208] {strides = array<i32>} : memref<64xi32, #tpu.memory_space<vmem>>, vector<16xi32>,
      %swap3A_210 = vector.shape_cast %swap3A_209 : vector<16xi32> to vector<16xi32>
      %swap3A_211 = vector.shape_cast %get3A_207 : vector<16xi32> to vector<16xi32>
      tpu.vector_store %arg16[%swap3A_208], %swap3A_211 {strides = array<i32>} : memref<64xi32, #tpu.memory_space<vmem>>, vector<16xi32>,
      %get3A_212 = arith.constant 0 : i32
      %get3A_213 = arith.index_cast %get3A_212 : i32 to index
      %get3A_214 = arith.constant 48 : index
      %get3A_215 = tpu.vector_load %arg10[%get3A_213, %get3A_214] {strides = array<i32>} : memref<2x128xi32, #tpu.memory_space<vmem>>, vector<1x16xi32>,
      %get3A_216 = vector.shape_cast %get3A_215 : vector<1x16xi32> to vector<16xi32>
      %swap3A_217 = arith.constant 48 : index
      %swap3A_218 = tpu.vector_load %arg12[%swap3A_217] {strides = array<i32>} : memref<64xi32, #tpu.memory_space<vmem>>, vector<16xi32>,
      %swap3A_219 = vector.shape_cast %swap3A_218 : vector<16xi32> to vector<16xi32>
      %swap3A_220 = vector.shape_cast %get3A_216 : vector<16xi32> to vector<16xi32>
      tpu.vector_store %arg12[%swap3A_217], %swap3A_220 {strides = array<i32>} : memref<64xi32, #tpu.memory_space<vmem>>, vector<16xi32>,
      %get3A_221 = arith.constant 1 : i32
      %get3A_222 = arith.index_cast %get3A_221 : i32 to index
      %get3A_223 = arith.constant 48 : index
      %get3A_224 = tpu.vector_load %arg10[%get3A_222, %get3A_223] {strides = array<i32>} : memref<2x128xi32, #tpu.memory_space<vmem>>, vector<1x16xi32>,
      %get3A_225 = vector.shape_cast %get3A_224 : vector<1x16xi32> to vector<16xi32>
      %swap3A_226 = arith.constant 48 : index
      %swap3A_227 = tpu.vector_load %arg16[%swap3A_226] {strides = array<i32>} : memref<64xi32, #tpu.memory_space<vmem>>, vector<16xi32>,
      %swap3A_228 = vector.shape_cast %swap3A_227 : vector<16xi32> to vector<16xi32>
      %swap3A_229 = vector.shape_cast %get3A_225 : vector<16xi32> to vector<16xi32>
      tpu.vector_store %arg16[%swap3A_226], %swap3A_229 {strides = array<i32>} : memref<64xi32, #tpu.memory_space<vmem>>, vector<16xi32>,
      %get3A_230 = arith.constant 0 : i32
      %get3A_231 = arith.index_cast %get3A_230 : i32 to index
      %get3A_232 = arith.constant 64 : index
      %get3A_233 = tpu.vector_load %arg10[%get3A_231, %get3A_232] {strides = array<i32>} : memref<2x128xi32, #tpu.memory_space<vmem>>, vector<1x16xi32>,
      %get3A_234 = vector.shape_cast %get3A_233 : vector<1x16xi32> to vector<16xi32>
      %swap3A_235 = arith.constant 0 : index
      %swap3A_236 = tpu.vector_load %arg13[%swap3A_235] {strides = array<i32>} : memref<64xi32, #tpu.memory_space<vmem>>, vector<16xi32>,
      %swap3A_237 = vector.shape_cast %swap3A_236 : vector<16xi32> to vector<16xi32>
      %swap3A_238 = vector.shape_cast %get3A_234 : vector<16xi32> to vector<16xi32>
      tpu.vector_store %arg13[%swap3A_235], %swap3A_238 {strides = array<i32>} : memref<64xi32, #tpu.memory_space<vmem>>, vector<16xi32>,
      %get3A_239 = arith.constant 1 : i32
      %get3A_240 = arith.index_cast %get3A_239 : i32 to index
      %get3A_241 = arith.constant 64 : index
      %get3A_242 = tpu.vector_load %arg10[%get3A_240, %get3A_241] {strides = array<i32>} : memref<2x128xi32, #tpu.memory_space<vmem>>, vector<1x16xi32>,
      %get3A_243 = vector.shape_cast %get3A_242 : vector<1x16xi32> to vector<16xi32>
      %swap3A_244 = arith.constant 0 : index
      %swap3A_245 = tpu.vector_load %arg17[%swap3A_244] {strides = array<i32>} : memref<64xi32, #tpu.memory_space<vmem>>, vector<16xi32>,
      %swap3A_246 = vector.shape_cast %swap3A_245 : vector<16xi32> to vector<16xi32>
      %swap3A_247 = vector.shape_cast %get3A_243 : vector<16xi32> to vector<16xi32>
      tpu.vector_store %arg17[%swap3A_244], %swap3A_247 {strides = array<i32>} : memref<64xi32, #tpu.memory_space<vmem>>, vector<16xi32>,
      %get3A_248 = arith.constant 0 : i32
      %get3A_249 = arith.index_cast %get3A_248 : i32 to index
      %get3A_250 = arith.constant 80 : index
      %get3A_251 = tpu.vector_load %arg10[%get3A_249, %get3A_250] {strides = array<i32>} : memref<2x128xi32, #tpu.memory_space<vmem>>, vector<1x16xi32>,
      %get3A_252 = vector.shape_cast %get3A_251 : vector<1x16xi32> to vector<16xi32>
      %swap3A_253 = arith.constant 16 : index
      %swap3A_254 = tpu.vector_load %arg13[%swap3A_253] {strides = array<i32>} : memref<64xi32, #tpu.memory_space<vmem>>, vector<16xi32>,
      %swap3A_255 = vector.shape_cast %swap3A_254 : vector<16xi32> to vector<16xi32>
      %swap3A_256 = vector.shape_cast %get3A_252 : vector<16xi32> to vector<16xi32>
      tpu.vector_store %arg13[%swap3A_253], %swap3A_256 {strides = array<i32>} : memref<64xi32, #tpu.memory_space<vmem>>, vector<16xi32>,
      %get3A_257 = arith.constant 1 : i32
      %get3A_258 = arith.index_cast %get3A_257 : i32 to index
      %get3A_259 = arith.constant 80 : index
      %get3A_260 = tpu.vector_load %arg10[%get3A_258, %get3A_259] {strides = array<i32>} : memref<2x128xi32, #tpu.memory_space<vmem>>, vector<1x16xi32>,
      %get3A_261 = vector.shape_cast %get3A_260 : vector<1x16xi32> to vector<16xi32>
      %swap3A_262 = arith.constant 16 : index
      %swap3A_263 = tpu.vector_load %arg17[%swap3A_262] {strides = array<i32>} : memref<64xi32, #tpu.memory_space<vmem>>, vector<16xi32>,
      %swap3A_264 = vector.shape_cast %swap3A_263 : vector<16xi32> to vector<16xi32>
      %swap3A_265 = vector.shape_cast %get3A_261 : vector<16xi32> to vector<16xi32>
      tpu.vector_store %arg17[%swap3A_262], %swap3A_265 {strides = array<i32>} : memref<64xi32, #tpu.memory_space<vmem>>, vector<16xi32>,
      %get3A_266 = arith.constant 0 : i32
      %get3A_267 = arith.index_cast %get3A_266 : i32 to index
      %get3A_268 = arith.constant 96 : index
      %get3A_269 = tpu.vector_load %arg10[%get3A_267, %get3A_268] {strides = array<i32>} : memref<2x128xi32, #tpu.memory_space<vmem>>, vector<1x16xi32>,
      %get3A_270 = vector.shape_cast %get3A_269 : vector<1x16xi32> to vector<16xi32>
      %swap3A_271 = arith.constant 32 : index
      %swap3A_272 = tpu.vector_load %arg13[%swap3A_271] {strides = array<i32>} : memref<64xi32, #tpu.memory_space<vmem>>, vector<16xi32>,
      %swap3A_273 = vector.shape_cast %swap3A_272 : vector<16xi32> to vector<16xi32>
      %swap3A_274 = vector.shape_cast %get3A_270 : vector<16xi32> to vector<16xi32>
      tpu.vector_store %arg13[%swap3A_271], %swap3A_274 {strides = array<i32>} : memref<64xi32, #tpu.memory_space<vmem>>, vector<16xi32>,
      %get3A_275 = arith.constant 1 : i32
      %get3A_276 = arith.index_cast %get3A_275 : i32 to index
      %get3A_277 = arith.constant 96 : index
      %get3A_278 = tpu.vector_load %arg10[%get3A_276, %get3A_277] {strides = array<i32>} : memref<2x128xi32, #tpu.memory_space<vmem>>, vector<1x16xi32>,
      %get3A_279 = vector.shape_cast %get3A_278 : vector<1x16xi32> to vector<16xi32>
      %swap3A_280 = arith.constant 32 : index
      %swap3A_281 = tpu.vector_load %arg17[%swap3A_280] {strides = array<i32>} : memref<64xi32, #tpu.memory_space<vmem>>, vector<16xi32>,
      %swap3A_282 = vector.shape_cast %swap3A_281 : vector<16xi32> to vector<16xi32>
      %swap3A_283 = vector.shape_cast %get3A_279 : vector<16xi32> to vector<16xi32>
      tpu.vector_store %arg17[%swap3A_280], %swap3A_283 {strides = array<i32>} : memref<64xi32, #tpu.memory_space<vmem>>, vector<16xi32>,
      %get3A_284 = arith.constant 0 : i32
      %get3A_285 = arith.index_cast %get3A_284 : i32 to index
      %get3A_286 = arith.constant 112 : index
      %get3A_287 = tpu.vector_load %arg10[%get3A_285, %get3A_286] {strides = array<i32>} : memref<2x128xi32, #tpu.memory_space<vmem>>, vector<1x16xi32>,
      %get3A_288 = vector.shape_cast %get3A_287 : vector<1x16xi32> to vector<16xi32>
      %swap3A_289 = arith.constant 48 : index
      %swap3A_290 = tpu.vector_load %arg13[%swap3A_289] {strides = array<i32>} : memref<64xi32, #tpu.memory_space<vmem>>, vector<16xi32>,
      %swap3A_291 = vector.shape_cast %swap3A_290 : vector<16xi32> to vector<16xi32>
      %swap3A_292 = vector.shape_cast %get3A_288 : vector<16xi32> to vector<16xi32>
      tpu.vector_store %arg13[%swap3A_289], %swap3A_292 {strides = array<i32>} : memref<64xi32, #tpu.memory_space<vmem>>, vector<16xi32>,
      %get3A_293 = arith.constant 1 : i32
      %get3A_294 = arith.index_cast %get3A_293 : i32 to index
      %get3A_295 = arith.constant 112 : index
      %get3A_296 = tpu.vector_load %arg10[%get3A_294, %get3A_295] {strides = array<i32>} : memref<2x128xi32, #tpu.memory_space<vmem>>, vector<1x16xi32>,
      %get3A_297 = vector.shape_cast %get3A_296 : vector<1x16xi32> to vector<16xi32>
      %swap3A_298 = arith.constant 48 : index
      %swap3A_299 = tpu.vector_load %arg17[%swap3A_298] {strides = array<i32>} : memref<64xi32, #tpu.memory_space<vmem>>, vector<16xi32>,
      %swap3A_300 = vector.shape_cast %swap3A_299 : vector<16xi32> to vector<16xi32>
      %swap3A_301 = vector.shape_cast %get3A_297 : vector<16xi32> to vector<16xi32>
      tpu.vector_store %arg17[%swap3A_298], %swap3A_301 {strides = array<i32>} : memref<64xi32, #tpu.memory_space<vmem>>, vector<16xi32>,
      %add3A_302 = arith.constant 2 : i32
      %add3A_303 = arith.addi %mul3A_148, %add3A_302 : i32
      %lt3A_304 = arith.cmpi slt, %add3A_303, %add3A_30 : i32
      %convert_element_type3A_305 = arith.extui %lt3A_304 : i1 to i32
      %cond3A_306 = arith.constant 0 : i32
      %cond3A_307 = arith.cmpi ne, %convert_element_type3A_305, %cond3A_306 : i32
      scf.if %cond3A_307 {
        %add3A_519 = arith.constant 2 : i32
        %add3A_520 = arith.addi %add3A_146, %add3A_519 : i32
        %mul3A_521 = arith.constant 128 : i32
        %mul3A_522 = arith.muli %add3A_520, %mul3A_521 : i32
        %dma_start3A_523 = arith.constant 0 : i32
        %dma_start3A_524 = tpu.memref_slice %arg3[%dma_start3A_523, %mul3A_522] : memref<2x320000xi32, #tpu.memory_space<hbm>> -> memref<2x128xi32, #tpu.memory_space<hbm>>
        %dma_start3A_525 = arith.constant 0 : i32
        %dma_start3A_526 = tpu.memref_slice %arg3[%dma_start3A_525, %mul3A_522] : memref<2x320000xi32, #tpu.memory_space<hbm>> -> memref<2x128xi32, #tpu.memory_space<hbm>>
        tpu.enqueue_dma source(%dma_start3A_526 : memref<2x128xi32, #tpu.memory_space<hbm>>) target(%arg10 : memref<2x128xi32, #tpu.memory_space<vmem>>) target_semaphore(%arg25 : memref<!tpu.dma_semaphore, #tpu.memory_space<semaphore_mem>>)
      } else {
      }
      %dma_start3A_308 = arith.constant 0 : i32
      %dma_start3A_309 = arith.constant 0 : i32
      %dma_start3A_310 = tpu.memref_slice %arg2[%dma_start3A_308, %dma_start3A_309] : memref<10000x128xf32, #tpu.memory_space<hbm>> -> memref<10000x128xf32, #tpu.memory_space<hbm>>
      tpu.enqueue_indirect_dma source(%dma_start3A_310 : memref<10000x128xf32, #tpu.memory_space<hbm>>) target(%arg20 : memref<64x128xf32, #tpu.memory_space<vmem>>) offsets(%arg12 : memref<64xi32, #tpu.memory_space<vmem>>) semaphore(%arg27 : memref<!tpu.dma_semaphore, #tpu.memory_space<semaphore_mem>>)
      %dma_start3A_311 = arith.constant 0 : i32
      %dma_start3A_312 = arith.constant 0 : i32
      %dma_start3A_313 = tpu.memref_slice %arg2[%dma_start3A_311, %dma_start3A_312] : memref<10000x128xf32, #tpu.memory_space<hbm>> -> memref<10000x128xf32, #tpu.memory_space<hbm>>
      tpu.enqueue_indirect_dma source(%dma_start3A_313 : memref<10000x128xf32, #tpu.memory_space<hbm>>) target(%arg21 : memref<64x128xf32, #tpu.memory_space<vmem>>) offsets(%arg13 : memref<64xi32, #tpu.memory_space<vmem>>) semaphore(%arg28 : memref<!tpu.dma_semaphore, #tpu.memory_space<semaphore_mem>>)
      %add3A_314 = arith.constant 1 : i32
      %add3A_315 = arith.addi %add3A_146, %add3A_314 : i32
      %mul3A_316 = arith.constant 2 : i32
      %mul3A_317 = arith.muli %mul3A_316, %while3A_143 : i32
      %add3A_318 = arith.constant 1 : i32
      %add3A_319 = arith.addi %mul3A_317, %add3A_318 : i32
      %mul3A_320 = arith.constant 128 : i32
      %mul3A_321 = arith.muli %add3A_315, %mul3A_320 : i32
      %dma_wait3A_322 = arith.constant 0 : i32
      %dma_wait3A_323 = tpu.memref_slice %arg3[%dma_wait3A_322, %mul3A_321] : memref<2x320000xi32, #tpu.memory_space<hbm>> -> memref<2x128xi32, #tpu.memory_space<hbm>>
      %dma_wait3A_324 = arith.constant 0 : i32
      %dma_wait3A_325 = tpu.memref_slice %arg3[%dma_wait3A_324, %mul3A_321] : memref<2x320000xi32, #tpu.memory_space<hbm>> -> memref<2x128xi32, #tpu.memory_space<hbm>>
      tpu.wait_dma2 semaphore(%arg26 : memref<!tpu.dma_semaphore, #tpu.memory_space<semaphore_mem>>) src(%dma_wait3A_325 : memref<2x128xi32, #tpu.memory_space<hbm>>) dst(%arg11 : memref<2x128xi32, #tpu.memory_space<vmem>>)
      %gt3A_326 = arith.constant 0 : i32
      %gt3A_327 = arith.cmpi sgt, %while3A_143, %gt3A_326 : i32
      %convert_element_type3A_328 = arith.extui %gt3A_327 : i1 to i32
      %cond3A_329 = arith.constant 0 : i32
      %cond3A_330 = arith.cmpi ne, %convert_element_type3A_328, %cond3A_329 : i32
      scf.if %cond3A_330 {
        %dma_wait3A_519 = arith.constant 0 : i32
        %dma_wait3A_520 = arith.constant 0 : i32
        %dma_wait3A_521 = tpu.memref_slice %arg8[%dma_wait3A_519, %dma_wait3A_520] : memref<10240x128xf32, #tpu.memory_space<vmem_shared>> -> memref<10240x128xf32, #tpu.memory_space<vmem_shared>>
        tpu.wait_indirect_dma semaphore(%arg33 : memref<!tpu.dma_semaphore, #tpu.memory_space<semaphore_mem>>) src(%arg22 : memref<64x128xf32, #tpu.memory_space<vmem>>) dst(%dma_wait3A_521 : memref<10240x128xf32, #tpu.memory_space<vmem_shared>>)
        %dma_wait3A_522 = arith.constant 0 : i32
        %dma_wait3A_523 = tpu.memref_slice %arg9[%dma_wait3A_522] : memref<10240xf32, #tpu.memory_space<vmem_shared>> -> memref<10240xf32, #tpu.memory_space<vmem_shared>>
        tpu.wait_indirect_dma semaphore(%arg33 : memref<!tpu.dma_semaphore, #tpu.memory_space<semaphore_mem>>) src(%arg24 : memref<64xf32, #tpu.memory_space<vmem>>) dst(%dma_wait3A_523 : memref<10240xf32, #tpu.memory_space<vmem_shared>>)
        %dma_wait3A_524 = arith.constant 0 : i32
        %dma_wait3A_525 = arith.constant 0 : i32
        %dma_wait3A_526 = tpu.memref_slice %arg8[%dma_wait3A_524, %dma_wait3A_525] : memref<10240x128xf32, #tpu.memory_space<vmem_shared>> -> memref<10240x128xf32, #tpu.memory_space<vmem_shared>>
        tpu.wait_indirect_dma semaphore(%arg34 : memref<!tpu.dma_semaphore, #tpu.memory_space<semaphore_mem>>) src(%arg23 : memref<64x128xf32, #tpu.memory_space<vmem>>) dst(%dma_wait3A_526 : memref<10240x128xf32, #tpu.memory_space<vmem_shared>>)
        %dma_wait3A_527 = arith.constant 0 : i32
        %dma_wait3A_528 = tpu.memref_slice %arg9[%dma_wait3A_527] : memref<10240xf32, #tpu.memory_space<vmem_shared>> -> memref<10240xf32, #tpu.memory_space<vmem_shared>>
        tpu.wait_indirect_dma semaphore(%arg34 : memref<!tpu.dma_semaphore, #tpu.memory_space<semaphore_mem>>) src(%arg24 : memref<64xf32, #tpu.memory_space<vmem>>) dst(%dma_wait3A_528 : memref<10240xf32, #tpu.memory_space<vmem_shared>>)
      } else {
      }
      %get3A_331 = arith.constant 0 : i32
      %get3A_332 = arith.index_cast %get3A_331 : i32 to index
      %get3A_333 = arith.constant 0 : index
      %get3A_334 = tpu.vector_load %arg11[%get3A_332, %get3A_333] {strides = array<i32>} : memref<2x128xi32, #tpu.memory_space<vmem>>, vector<1x16xi32>,
      %get3A_335 = vector.shape_cast %get3A_334 : vector<1x16xi32> to vector<16xi32>
      %swap3A_336 = arith.constant 0 : index
      %swap3A_337 = tpu.vector_load %arg14[%swap3A_336] {strides = array<i32>} : memref<64xi32, #tpu.memory_space<vmem>>, vector<16xi32>,
      %swap3A_338 = vector.shape_cast %swap3A_337 : vector<16xi32> to vector<16xi32>
      %swap3A_339 = vector.shape_cast %get3A_335 : vector<16xi32> to vector<16xi32>
      tpu.vector_store %arg14[%swap3A_336], %swap3A_339 {strides = array<i32>} : memref<64xi32, #tpu.memory_space<vmem>>, vector<16xi32>,
      %get3A_340 = arith.constant 1 : i32
      %get3A_341 = arith.index_cast %get3A_340 : i32 to index
      %get3A_342 = arith.constant 0 : index
      %get3A_343 = tpu.vector_load %arg11[%get3A_341, %get3A_342] {strides = array<i32>} : memref<2x128xi32, #tpu.memory_space<vmem>>, vector<1x16xi32>,
      %get3A_344 = vector.shape_cast %get3A_343 : vector<1x16xi32> to vector<16xi32>
      %swap3A_345 = arith.constant 0 : index
      %swap3A_346 = tpu.vector_load %arg18[%swap3A_345] {strides = array<i32>} : memref<64xi32, #tpu.memory_space<vmem>>, vector<16xi32>,
      %swap3A_347 = vector.shape_cast %swap3A_346 : vector<16xi32> to vector<16xi32>
      %swap3A_348 = vector.shape_cast %get3A_344 : vector<16xi32> to vector<16xi32>
      tpu.vector_store %arg18[%swap3A_345], %swap3A_348 {strides = array<i32>} : memref<64xi32, #tpu.memory_space<vmem>>, vector<16xi32>,
      %get3A_349 = arith.constant 0 : i32
      %get3A_350 = arith.index_cast %get3A_349 : i32 to index
      %get3A_351 = arith.constant 16 : index
      %get3A_352 = tpu.vector_load %arg11[%get3A_350, %get3A_351] {strides = array<i32>} : memref<2x128xi32, #tpu.memory_space<vmem>>, vector<1x16xi32>,
      %get3A_353 = vector.shape_cast %get3A_352 : vector<1x16xi32> to vector<16xi32>
      %swap3A_354 = arith.constant 16 : index
      %swap3A_355 = tpu.vector_load %arg14[%swap3A_354] {strides = array<i32>} : memref<64xi32, #tpu.memory_space<vmem>>, vector<16xi32>,
      %swap3A_356 = vector.shape_cast %swap3A_355 : vector<16xi32> to vector<16xi32>
      %swap3A_357 = vector.shape_cast %get3A_353 : vector<16xi32> to vector<16xi32>
      tpu.vector_store %arg14[%swap3A_354], %swap3A_357 {strides = array<i32>} : memref<64xi32, #tpu.memory_space<vmem>>, vector<16xi32>,
      %get3A_358 = arith.constant 1 : i32
      %get3A_359 = arith.index_cast %get3A_358 : i32 to index
      %get3A_360 = arith.constant 16 : index
      %get3A_361 = tpu.vector_load %arg11[%get3A_359, %get3A_360] {strides = array<i32>} : memref<2x128xi32, #tpu.memory_space<vmem>>, vector<1x16xi32>,
      %get3A_362 = vector.shape_cast %get3A_361 : vector<1x16xi32> to vector<16xi32>
      %swap3A_363 = arith.constant 16 : index
      %swap3A_364 = tpu.vector_load %arg18[%swap3A_363] {strides = array<i32>} : memref<64xi32, #tpu.memory_space<vmem>>, vector<16xi32>,
      %swap3A_365 = vector.shape_cast %swap3A_364 : vector<16xi32> to vector<16xi32>
      %swap3A_366 = vector.shape_cast %get3A_362 : vector<16xi32> to vector<16xi32>
      tpu.vector_store %arg18[%swap3A_363], %swap3A_366 {strides = array<i32>} : memref<64xi32, #tpu.memory_space<vmem>>, vector<16xi32>,
      %get3A_367 = arith.constant 0 : i32
      %get3A_368 = arith.index_cast %get3A_367 : i32 to index
      %get3A_369 = arith.constant 32 : index
      %get3A_370 = tpu.vector_load %arg11[%get3A_368, %get3A_369] {strides = array<i32>} : memref<2x128xi32, #tpu.memory_space<vmem>>, vector<1x16xi32>,
      %get3A_371 = vector.shape_cast %get3A_370 : vector<1x16xi32> to vector<16xi32>
      %swap3A_372 = arith.constant 32 : index
      %swap3A_373 = tpu.vector_load %arg14[%swap3A_372] {strides = array<i32>} : memref<64xi32, #tpu.memory_space<vmem>>, vector<16xi32>,
      %swap3A_374 = vector.shape_cast %swap3A_373 : vector<16xi32> to vector<16xi32>
      %swap3A_375 = vector.shape_cast %get3A_371 : vector<16xi32> to vector<16xi32>
      tpu.vector_store %arg14[%swap3A_372], %swap3A_375 {strides = array<i32>} : memref<64xi32, #tpu.memory_space<vmem>>, vector<16xi32>,
      %get3A_376 = arith.constant 1 : i32
      %get3A_377 = arith.index_cast %get3A_376 : i32 to index
      %get3A_378 = arith.constant 32 : index
      %get3A_379 = tpu.vector_load %arg11[%get3A_377, %get3A_378] {strides = array<i32>} : memref<2x128xi32, #tpu.memory_space<vmem>>, vector<1x16xi32>,
      %get3A_380 = vector.shape_cast %get3A_379 : vector<1x16xi32> to vector<16xi32>
      %swap3A_381 = arith.constant 32 : index
      %swap3A_382 = tpu.vector_load %arg18[%swap3A_381] {strides = array<i32>} : memref<64xi32, #tpu.memory_space<vmem>>, vector<16xi32>,
      %swap3A_383 = vector.shape_cast %swap3A_382 : vector<16xi32> to vector<16xi32>
      %swap3A_384 = vector.shape_cast %get3A_380 : vector<16xi32> to vector<16xi32>
      tpu.vector_store %arg18[%swap3A_381], %swap3A_384 {strides = array<i32>} : memref<64xi32, #tpu.memory_space<vmem>>, vector<16xi32>,
      %get3A_385 = arith.constant 0 : i32
      %get3A_386 = arith.index_cast %get3A_385 : i32 to index
      %get3A_387 = arith.constant 48 : index
      %get3A_388 = tpu.vector_load %arg11[%get3A_386, %get3A_387] {strides = array<i32>} : memref<2x128xi32, #tpu.memory_space<vmem>>, vector<1x16xi32>,
      %get3A_389 = vector.shape_cast %get3A_388 : vector<1x16xi32> to vector<16xi32>
      %swap3A_390 = arith.constant 48 : index
      %swap3A_391 = tpu.vector_load %arg14[%swap3A_390] {strides = array<i32>} : memref<64xi32, #tpu.memory_space<vmem>>, vector<16xi32>,
      %swap3A_392 = vector.shape_cast %swap3A_391 : vector<16xi32> to vector<16xi32>
      %swap3A_393 = vector.shape_cast %get3A_389 : vector<16xi32> to vector<16xi32>
      tpu.vector_store %arg14[%swap3A_390], %swap3A_393 {strides = array<i32>} : memref<64xi32, #tpu.memory_space<vmem>>, vector<16xi32>,
      %get3A_394 = arith.constant 1 : i32
      %get3A_395 = arith.index_cast %get3A_394 : i32 to index
      %get3A_396 = arith.constant 48 : index
      %get3A_397 = tpu.vector_load %arg11[%get3A_395, %get3A_396] {strides = array<i32>} : memref<2x128xi32, #tpu.memory_space<vmem>>, vector<1x16xi32>,
      %get3A_398 = vector.shape_cast %get3A_397 : vector<1x16xi32> to vector<16xi32>
      %swap3A_399 = arith.constant 48 : index
      %swap3A_400 = tpu.vector_load %arg18[%swap3A_399] {strides = array<i32>} : memref<64xi32, #tpu.memory_space<vmem>>, vector<16xi32>,
      %swap3A_401 = vector.shape_cast %swap3A_400 : vector<16xi32> to vector<16xi32>
      %swap3A_402 = vector.shape_cast %get3A_398 : vector<16xi32> to vector<16xi32>
      tpu.vector_store %arg18[%swap3A_399], %swap3A_402 {strides = array<i32>} : memref<64xi32, #tpu.memory_space<vmem>>, vector<16xi32>,
      %get3A_403 = arith.constant 0 : i32
      %get3A_404 = arith.index_cast %get3A_403 : i32 to index
      %get3A_405 = arith.constant 64 : index
      %get3A_406 = tpu.vector_load %arg11[%get3A_404, %get3A_405] {strides = array<i32>} : memref<2x128xi32, #tpu.memory_space<vmem>>, vector<1x16xi32>,
      %get3A_407 = vector.shape_cast %get3A_406 : vector<1x16xi32> to vector<16xi32>
      %swap3A_408 = arith.constant 0 : index
      %swap3A_409 = tpu.vector_load %arg15[%swap3A_408] {strides = array<i32>} : memref<64xi32, #tpu.memory_space<vmem>>, vector<16xi32>,
      %swap3A_410 = vector.shape_cast %swap3A_409 : vector<16xi32> to vector<16xi32>
      %swap3A_411 = vector.shape_cast %get3A_407 : vector<16xi32> to vector<16xi32>
      tpu.vector_store %arg15[%swap3A_408], %swap3A_411 {strides = array<i32>} : memref<64xi32, #tpu.memory_space<vmem>>, vector<16xi32>,
      %get3A_412 = arith.constant 1 : i32
      %get3A_413 = arith.index_cast %get3A_412 : i32 to index
      %get3A_414 = arith.constant 64 : index
      %get3A_415 = tpu.vector_load %arg11[%get3A_413, %get3A_414] {strides = array<i32>} : memref<2x128xi32, #tpu.memory_space<vmem>>, vector<1x16xi32>,
      %get3A_416 = vector.shape_cast %get3A_415 : vector<1x16xi32> to vector<16xi32>
      %swap3A_417 = arith.constant 0 : index
      %swap3A_418 = tpu.vector_load %arg19[%swap3A_417] {strides = array<i32>} : memref<64xi32, #tpu.memory_space<vmem>>, vector<16xi32>,
      %swap3A_419 = vector.shape_cast %swap3A_418 : vector<16xi32> to vector<16xi32>
      %swap3A_420 = vector.shape_cast %get3A_416 : vector<16xi32> to vector<16xi32>
      tpu.vector_store %arg19[%swap3A_417], %swap3A_420 {strides = array<i32>} : memref<64xi32, #tpu.memory_space<vmem>>, vector<16xi32>,
      %get3A_421 = arith.constant 0 : i32
      %get3A_422 = arith.index_cast %get3A_421 : i32 to index
      %get3A_423 = arith.constant 80 : index
      %get3A_424 = tpu.vector_load %arg11[%get3A_422, %get3A_423] {strides = array<i32>} : memref<2x128xi32, #tpu.memory_space<vmem>>, vector<1x16xi32>,
      %get3A_425 = vector.shape_cast %get3A_424 : vector<1x16xi32> to vector<16xi32>
      %swap3A_426 = arith.constant 16 : index
      %swap3A_427 = tpu.vector_load %arg15[%swap3A_426] {strides = array<i32>} : memref<64xi32, #tpu.memory_space<vmem>>, vector<16xi32>,
      %swap3A_428 = vector.shape_cast %swap3A_427 : vector<16xi32> to vector<16xi32>
      %swap3A_429 = vector.shape_cast %get3A_425 : vector<16xi32> to vector<16xi32>
      tpu.vector_store %arg15[%swap3A_426], %swap3A_429 {strides = array<i32>} : memref<64xi32, #tpu.memory_space<vmem>>, vector<16xi32>,
      %get3A_430 = arith.constant 1 : i32
      %get3A_431 = arith.index_cast %get3A_430 : i32 to index
      %get3A_432 = arith.constant 80 : index
      %get3A_433 = tpu.vector_load %arg11[%get3A_431, %get3A_432] {strides = array<i32>} : memref<2x128xi32, #tpu.memory_space<vmem>>, vector<1x16xi32>,
      %get3A_434 = vector.shape_cast %get3A_433 : vector<1x16xi32> to vector<16xi32>
      %swap3A_435 = arith.constant 16 : index
      %swap3A_436 = tpu.vector_load %arg19[%swap3A_435] {strides = array<i32>} : memref<64xi32, #tpu.memory_space<vmem>>, vector<16xi32>,
      %swap3A_437 = vector.shape_cast %swap3A_436 : vector<16xi32> to vector<16xi32>
      %swap3A_438 = vector.shape_cast %get3A_434 : vector<16xi32> to vector<16xi32>
      tpu.vector_store %arg19[%swap3A_435], %swap3A_438 {strides = array<i32>} : memref<64xi32, #tpu.memory_space<vmem>>, vector<16xi32>,
      %get3A_439 = arith.constant 0 : i32
      %get3A_440 = arith.index_cast %get3A_439 : i32 to index
      %get3A_441 = arith.constant 96 : index
      %get3A_442 = tpu.vector_load %arg11[%get3A_440, %get3A_441] {strides = array<i32>} : memref<2x128xi32, #tpu.memory_space<vmem>>, vector<1x16xi32>,
      %get3A_443 = vector.shape_cast %get3A_442 : vector<1x16xi32> to vector<16xi32>
      %swap3A_444 = arith.constant 32 : index
      %swap3A_445 = tpu.vector_load %arg15[%swap3A_444] {strides = array<i32>} : memref<64xi32, #tpu.memory_space<vmem>>, vector<16xi32>,
      %swap3A_446 = vector.shape_cast %swap3A_445 : vector<16xi32> to vector<16xi32>
      %swap3A_447 = vector.shape_cast %get3A_443 : vector<16xi32> to vector<16xi32>
      tpu.vector_store %arg15[%swap3A_444], %swap3A_447 {strides = array<i32>} : memref<64xi32, #tpu.memory_space<vmem>>, vector<16xi32>,
      %get3A_448 = arith.constant 1 : i32
      %get3A_449 = arith.index_cast %get3A_448 : i32 to index
      %get3A_450 = arith.constant 96 : index
      %get3A_451 = tpu.vector_load %arg11[%get3A_449, %get3A_450] {strides = array<i32>} : memref<2x128xi32, #tpu.memory_space<vmem>>, vector<1x16xi32>,
      %get3A_452 = vector.shape_cast %get3A_451 : vector<1x16xi32> to vector<16xi32>
      %swap3A_453 = arith.constant 32 : index
      %swap3A_454 = tpu.vector_load %arg19[%swap3A_453] {strides = array<i32>} : memref<64xi32, #tpu.memory_space<vmem>>, vector<16xi32>,
      %swap3A_455 = vector.shape_cast %swap3A_454 : vector<16xi32> to vector<16xi32>
      %swap3A_456 = vector.shape_cast %get3A_452 : vector<16xi32> to vector<16xi32>
      tpu.vector_store %arg19[%swap3A_453], %swap3A_456 {strides = array<i32>} : memref<64xi32, #tpu.memory_space<vmem>>, vector<16xi32>,
      %get3A_457 = arith.constant 0 : i32
      %get3A_458 = arith.index_cast %get3A_457 : i32 to index
      %get3A_459 = arith.constant 112 : index
      %get3A_460 = tpu.vector_load %arg11[%get3A_458, %get3A_459] {strides = array<i32>} : memref<2x128xi32, #tpu.memory_space<vmem>>, vector<1x16xi32>,
      %get3A_461 = vector.shape_cast %get3A_460 : vector<1x16xi32> to vector<16xi32>
      %swap3A_462 = arith.constant 48 : index
      %swap3A_463 = tpu.vector_load %arg15[%swap3A_462] {strides = array<i32>} : memref<64xi32, #tpu.memory_space<vmem>>, vector<16xi32>,
      %swap3A_464 = vector.shape_cast %swap3A_463 : vector<16xi32> to vector<16xi32>
      %swap3A_465 = vector.shape_cast %get3A_461 : vector<16xi32> to vector<16xi32>
      tpu.vector_store %arg15[%swap3A_462], %swap3A_465 {strides = array<i32>} : memref<64xi32, #tpu.memory_space<vmem>>, vector<16xi32>,
      %get3A_466 = arith.constant 1 : i32
      %get3A_467 = arith.index_cast %get3A_466 : i32 to index
      %get3A_468 = arith.constant 112 : index
      %get3A_469 = tpu.vector_load %arg11[%get3A_467, %get3A_468] {strides = array<i32>} : memref<2x128xi32, #tpu.memory_space<vmem>>, vector<1x16xi32>,
      %get3A_470 = vector.shape_cast %get3A_469 : vector<1x16xi32> to vector<16xi32>
      %swap3A_471 = arith.constant 48 : index
      %swap3A_472 = tpu.vector_load %arg19[%swap3A_471] {strides = array<i32>} : memref<64xi32, #tpu.memory_space<vmem>>, vector<16xi32>,
      %swap3A_473 = vector.shape_cast %swap3A_472 : vector<16xi32> to vector<16xi32>
      %swap3A_474 = vector.shape_cast %get3A_470 : vector<16xi32> to vector<16xi32>
      tpu.vector_store %arg19[%swap3A_471], %swap3A_474 {strides = array<i32>} : memref<64xi32, #tpu.memory_space<vmem>>, vector<16xi32>,
      %add3A_475 = arith.constant 2 : i32
      %add3A_476 = arith.addi %add3A_319, %add3A_475 : i32
      %lt3A_477 = arith.cmpi slt, %add3A_476, %add3A_30 : i32
      %convert_element_type3A_478 = arith.extui %lt3A_477 : i1 to i32
      %cond3A_479 = arith.constant 0 : i32
      %cond3A_480 = arith.cmpi ne, %convert_element_type3A_478, %cond3A_479 : i32
      scf.if %cond3A_480 {
        %add3A_519 = arith.constant 2 : i32
        %add3A_520 = arith.addi %add3A_315, %add3A_519 : i32
        %mul3A_521 = arith.constant 128 : i32
        %mul3A_522 = arith.muli %add3A_520, %mul3A_521 : i32
        %dma_start3A_523 = arith.constant 0 : i32
        %dma_start3A_524 = tpu.memref_slice %arg3[%dma_start3A_523, %mul3A_522] : memref<2x320000xi32, #tpu.memory_space<hbm>> -> memref<2x128xi32, #tpu.memory_space<hbm>>
        %dma_start3A_525 = arith.constant 0 : i32
        %dma_start3A_526 = tpu.memref_slice %arg3[%dma_start3A_525, %mul3A_522] : memref<2x320000xi32, #tpu.memory_space<hbm>> -> memref<2x128xi32, #tpu.memory_space<hbm>>
        tpu.enqueue_dma source(%dma_start3A_526 : memref<2x128xi32, #tpu.memory_space<hbm>>) target(%arg11 : memref<2x128xi32, #tpu.memory_space<vmem>>) target_semaphore(%arg26 : memref<!tpu.dma_semaphore, #tpu.memory_space<semaphore_mem>>)
      } else {
      }
      %dma_start3A_481 = arith.constant 0 : i32
      %dma_start3A_482 = arith.constant 0 : i32
      %dma_start3A_483 = tpu.memref_slice %arg2[%dma_start3A_481, %dma_start3A_482] : memref<10000x128xf32, #tpu.memory_space<hbm>> -> memref<10000x128xf32, #tpu.memory_space<hbm>>
      tpu.enqueue_indirect_dma source(%dma_start3A_483 : memref<10000x128xf32, #tpu.memory_space<hbm>>) target(%arg22 : memref<64x128xf32, #tpu.memory_space<vmem>>) offsets(%arg14 : memref<64xi32, #tpu.memory_space<vmem>>) semaphore(%arg29 : memref<!tpu.dma_semaphore, #tpu.memory_space<semaphore_mem>>)
      %dma_start3A_484 = arith.constant 0 : i32
      %dma_start3A_485 = arith.constant 0 : i32
      %dma_start3A_486 = tpu.memref_slice %arg2[%dma_start3A_484, %dma_start3A_485] : memref<10000x128xf32, #tpu.memory_space<hbm>> -> memref<10000x128xf32, #tpu.memory_space<hbm>>
      tpu.enqueue_indirect_dma source(%dma_start3A_486 : memref<10000x128xf32, #tpu.memory_space<hbm>>) target(%arg23 : memref<64x128xf32, #tpu.memory_space<vmem>>) offsets(%arg15 : memref<64xi32, #tpu.memory_space<vmem>>) semaphore(%arg30 : memref<!tpu.dma_semaphore, #tpu.memory_space<semaphore_mem>>)
      %dma_wait3A_487 = arith.constant 0 : i32
      %dma_wait3A_488 = arith.constant 0 : i32
      %dma_wait3A_489 = tpu.memref_slice %arg2[%dma_wait3A_487, %dma_wait3A_488] : memref<10000x128xf32, #tpu.memory_space<hbm>> -> memref<10000x128xf32, #tpu.memory_space<hbm>>
      tpu.wait_indirect_dma semaphore(%arg27 : memref<!tpu.dma_semaphore, #tpu.memory_space<semaphore_mem>>) src(%dma_wait3A_489 : memref<10000x128xf32, #tpu.memory_space<hbm>>) dst(%arg20 : memref<64x128xf32, #tpu.memory_space<vmem>>)
      %dma_start3A_490 = arith.constant 0 : i32
      %dma_start3A_491 = arith.constant 0 : i32
      %dma_start3A_492 = tpu.memref_slice %arg8[%dma_start3A_490, %dma_start3A_491] : memref<10240x128xf32, #tpu.memory_space<vmem_shared>> -> memref<10240x128xf32, #tpu.memory_space<vmem_shared>>
      tpu.enqueue_indirect_dma source(%arg20 : memref<64x128xf32, #tpu.memory_space<vmem>>) target(%dma_start3A_492 : memref<10240x128xf32, #tpu.memory_space<vmem_shared>>) offsets(%arg16 : memref<64xi32, #tpu.memory_space<vmem>>) semaphore(%arg31 : memref<!tpu.dma_semaphore, #tpu.memory_space<semaphore_mem>>) {add = true}
      %dma_start3A_493 = arith.constant 0 : i32
      %dma_start3A_494 = tpu.memref_slice %arg9[%dma_start3A_493] : memref<10240xf32, #tpu.memory_space<vmem_shared>> -> memref<10240xf32, #tpu.memory_space<vmem_shared>>
      tpu.enqueue_indirect_dma source(%arg24 : memref<64xf32, #tpu.memory_space<vmem>>) target(%dma_start3A_494 : memref<10240xf32, #tpu.memory_space<vmem_shared>>) offsets(%arg16 : memref<64xi32, #tpu.memory_space<vmem>>) semaphore(%arg31 : memref<!tpu.dma_semaphore, #tpu.memory_space<semaphore_mem>>) {add = true}
      %dma_wait3A_495 = arith.constant 0 : i32
      %dma_wait3A_496 = arith.constant 0 : i32
      %dma_wait3A_497 = tpu.memref_slice %arg2[%dma_wait3A_495, %dma_wait3A_496] : memref<10000x128xf32, #tpu.memory_space<hbm>> -> memref<10000x128xf32, #tpu.memory_space<hbm>>
      tpu.wait_indirect_dma semaphore(%arg28 : memref<!tpu.dma_semaphore, #tpu.memory_space<semaphore_mem>>) src(%dma_wait3A_497 : memref<10000x128xf32, #tpu.memory_space<hbm>>) dst(%arg21 : memref<64x128xf32, #tpu.memory_space<vmem>>)
      %dma_start3A_498 = arith.constant 0 : i32
      %dma_start3A_499 = arith.constant 0 : i32
      %dma_start3A_500 = tpu.memref_slice %arg8[%dma_start3A_498, %dma_start3A_499] : memref<10240x128xf32, #tpu.memory_space<vmem_shared>> -> memref<10240x128xf32, #tpu.memory_space<vmem_shared>>
      tpu.enqueue_indirect_dma source(%arg21 : memref<64x128xf32, #tpu.memory_space<vmem>>) target(%dma_start3A_500 : memref<10240x128xf32, #tpu.memory_space<vmem_shared>>) offsets(%arg17 : memref<64xi32, #tpu.memory_space<vmem>>) semaphore(%arg32 : memref<!tpu.dma_semaphore, #tpu.memory_space<semaphore_mem>>) {add = true}
      %dma_start3A_501 = arith.constant 0 : i32
      %dma_start3A_502 = tpu.memref_slice %arg9[%dma_start3A_501] : memref<10240xf32, #tpu.memory_space<vmem_shared>> -> memref<10240xf32, #tpu.memory_space<vmem_shared>>
      tpu.enqueue_indirect_dma source(%arg24 : memref<64xf32, #tpu.memory_space<vmem>>) target(%dma_start3A_502 : memref<10240xf32, #tpu.memory_space<vmem_shared>>) offsets(%arg17 : memref<64xi32, #tpu.memory_space<vmem>>) semaphore(%arg32 : memref<!tpu.dma_semaphore, #tpu.memory_space<semaphore_mem>>) {add = true}
      %dma_wait3A_503 = arith.constant 0 : i32
      %dma_wait3A_504 = arith.constant 0 : i32
      %dma_wait3A_505 = tpu.memref_slice %arg2[%dma_wait3A_503, %dma_wait3A_504] : memref<10000x128xf32, #tpu.memory_space<hbm>> -> memref<10000x128xf32, #tpu.memory_space<hbm>>
      tpu.wait_indirect_dma semaphore(%arg29 : memref<!tpu.dma_semaphore, #tpu.memory_space<semaphore_mem>>) src(%dma_wait3A_505 : memref<10000x128xf32, #tpu.memory_space<hbm>>) dst(%arg22 : memref<64x128xf32, #tpu.memory_space<vmem>>)
      %dma_start3A_506 = arith.constant 0 : i32
      %dma_start3A_507 = arith.constant 0 : i32
      %dma_start3A_508 = tpu.memref_slice %arg8[%dma_start3A_506, %dma_start3A_507] : memref<10240x128xf32, #tpu.memory_space<vmem_shared>> -> memref<10240x128xf32, #tpu.memory_space<vmem_shared>>
      tpu.enqueue_indirect_dma source(%arg22 : memref<64x128xf32, #tpu.memory_space<vmem>>) target(%dma_start3A_508 : memref<10240x128xf32, #tpu.memory_space<vmem_shared>>) offsets(%arg18 : memref<64xi32, #tpu.memory_space<vmem>>) semaphore(%arg33 : memref<!tpu.dma_semaphore, #tpu.memory_space<semaphore_mem>>) {add = true}
      %dma_start3A_509 = arith.constant 0 : i32
      %dma_start3A_510 = tpu.memref_slice %arg9[%dma_start3A_509] : memref<10240xf32, #tpu.memory_space<vmem_shared>> -> memref<10240xf32, #tpu.memory_space<vmem_shared>>
      tpu.enqueue_indirect_dma source(%arg24 : memref<64xf32, #tpu.memory_space<vmem>>) target(%dma_start3A_510 : memref<10240xf32, #tpu.memory_space<vmem_shared>>) offsets(%arg18 : memref<64xi32, #tpu.memory_space<vmem>>) semaphore(%arg33 : memref<!tpu.dma_semaphore, #tpu.memory_space<semaphore_mem>>) {add = true}
      %dma_wait3A_511 = arith.constant 0 : i32
      %dma_wait3A_512 = arith.constant 0 : i32
      %dma_wait3A_513 = tpu.memref_slice %arg2[%dma_wait3A_511, %dma_wait3A_512] : memref<10000x128xf32, #tpu.memory_space<hbm>> -> memref<10000x128xf32, #tpu.memory_space<hbm>>
      tpu.wait_indirect_dma semaphore(%arg30 : memref<!tpu.dma_semaphore, #tpu.memory_space<semaphore_mem>>) src(%dma_wait3A_513 : memref<10000x128xf32, #tpu.memory_space<hbm>>) dst(%arg23 : memref<64x128xf32, #tpu.memory_space<vmem>>)
      %dma_start3A_514 = arith.constant 0 : i32
      %dma_start3A_515 = arith.constant 0 : i32
      %dma_start3A_516 = tpu.memref_slice %arg8[%dma_start3A_514, %dma_start3A_515] : memref<10240x128xf32, #tpu.memory_space<vmem_shared>> -> memref<10240x128xf32, #tpu.memory_space<vmem_shared>>
      tpu.enqueue_indirect_dma source(%arg23 : memref<64x128xf32, #tpu.memory_space<vmem>>) target(%dma_start3A_516 : memref<10240x128xf32, #tpu.memory_space<vmem_shared>>) offsets(%arg19 : memref<64xi32, #tpu.memory_space<vmem>>) semaphore(%arg34 : memref<!tpu.dma_semaphore, #tpu.memory_space<semaphore_mem>>) {add = true}
      %dma_start3A_517 = arith.constant 0 : i32
      %dma_start3A_518 = tpu.memref_slice %arg9[%dma_start3A_517] : memref<10240xf32, #tpu.memory_space<vmem_shared>> -> memref<10240xf32, #tpu.memory_space<vmem_shared>>
      tpu.enqueue_indirect_dma source(%arg24 : memref<64xf32, #tpu.memory_space<vmem>>) target(%dma_start3A_518 : memref<10240xf32, #tpu.memory_space<vmem_shared>>) offsets(%arg19 : memref<64xi32, #tpu.memory_space<vmem>>) semaphore(%arg34 : memref<!tpu.dma_semaphore, #tpu.memory_space<semaphore_mem>>) {add = true}
    }
    %jit3A_77 = arith.constant 2 : i32
    %eq3A = arith.constant 0 : i32
    %eq3A_78 = arith.cmpi eq, %jit3A_77, %eq3A : i32
    %jit3A_79 = arith.constant 1 : i32
    %select_n3A_80 = arith.select %eq3A_78, %jit3A_79, %jit3A_77 : i32
    %rem3A_81 = arith.remsi %add3A_30, %select_n3A_80 : i32
    %ne3A_82 = arith.constant 0 : i32
    %ne3A_83 = arith.cmpi ne, %rem3A_81, %ne3A_82 : i32
    %lt3A_84 = arith.constant 0 : i32
    %lt3A_85 = arith.cmpi slt, %rem3A_81, %lt3A_84 : i32
    %lt3A_86 = arith.constant 0 : i32
    %lt3A_87 = arith.cmpi slt, %select_n3A_80, %lt3A_86 : i32
    %ne3A_88 = arith.xori %lt3A_85, %lt3A_87 : i1
    %and3A_89 = arith.andi %ne3A_88, %ne3A_83 : i1
    %add3A_90 = arith.addi %rem3A_81, %select_n3A_80 : i32
    %select_n3A_91 = arith.select %and3A_89, %add3A_90, %rem3A_81 : i32
    %eq3A_92 = arith.constant 1 : i32
    %eq3A_93 = arith.cmpi eq, %select_n3A_91, %eq3A_92 : i32
    %convert_element_type3A = arith.extui %eq3A_93 : i1 to i32
    %cond3A = arith.constant 0 : i32
    %cond3A_94 = arith.cmpi ne, %convert_element_type3A, %cond3A : i32
    scf.if %cond3A_94 {
      %add3A_143 = arith.addi %add3A_34, %add3A_30 : i32
      %sub3A_144 = arith.constant 1 : i32
      %sub3A_145 = arith.subi %add3A_143, %sub3A_144 : i32
      %mul3A_146 = arith.constant 128 : i32
      %mul3A_147 = arith.muli %sub3A_145, %mul3A_146 : i32
      %dma_wait3A_148 = arith.constant 0 : i32
      %dma_wait3A_149 = tpu.memref_slice %arg3[%dma_wait3A_148, %mul3A_147] : memref<2x320000xi32, #tpu.memory_space<hbm>> -> memref<2x128xi32, #tpu.memory_space<hbm>>
      %dma_wait3A_150 = arith.constant 0 : i32
      %dma_wait3A_151 = tpu.memref_slice %arg3[%dma_wait3A_150, %mul3A_147] : memref<2x320000xi32, #tpu.memory_space<hbm>> -> memref<2x128xi32, #tpu.memory_space<hbm>>
      tpu.wait_dma2 semaphore(%arg25 : memref<!tpu.dma_semaphore, #tpu.memory_space<semaphore_mem>>) src(%dma_wait3A_151 : memref<2x128xi32, #tpu.memory_space<hbm>>) dst(%arg10 : memref<2x128xi32, #tpu.memory_space<vmem>>)
      %dma_wait3A_152 = arith.constant 0 : i32
      %dma_wait3A_153 = arith.constant 0 : i32
      %dma_wait3A_154 = tpu.memref_slice %arg8[%dma_wait3A_152, %dma_wait3A_153] : memref<10240x128xf32, #tpu.memory_space<vmem_shared>> -> memref<10240x128xf32, #tpu.memory_space<vmem_shared>>
      tpu.wait_indirect_dma semaphore(%arg31 : memref<!tpu.dma_semaphore, #tpu.memory_space<semaphore_mem>>) src(%arg20 : memref<64x128xf32, #tpu.memory_space<vmem>>) dst(%dma_wait3A_154 : memref<10240x128xf32, #tpu.memory_space<vmem_shared>>)
      %dma_wait3A_155 = arith.constant 0 : i32
      %dma_wait3A_156 = tpu.memref_slice %arg9[%dma_wait3A_155] : memref<10240xf32, #tpu.memory_space<vmem_shared>> -> memref<10240xf32, #tpu.memory_space<vmem_shared>>
      tpu.wait_indirect_dma semaphore(%arg31 : memref<!tpu.dma_semaphore, #tpu.memory_space<semaphore_mem>>) src(%arg24 : memref<64xf32, #tpu.memory_space<vmem>>) dst(%dma_wait3A_156 : memref<10240xf32, #tpu.memory_space<vmem_shared>>)
      %dma_wait3A_157 = arith.constant 0 : i32
      %dma_wait3A_158 = arith.constant 0 : i32
      %dma_wait3A_159 = tpu.memref_slice %arg8[%dma_wait3A_157, %dma_wait3A_158] : memref<10240x128xf32, #tpu.memory_space<vmem_shared>> -> memref<10240x128xf32, #tpu.memory_space<vmem_shared>>
      tpu.wait_indirect_dma semaphore(%arg32 : memref<!tpu.dma_semaphore, #tpu.memory_space<semaphore_mem>>) src(%arg21 : memref<64x128xf32, #tpu.memory_space<vmem>>) dst(%dma_wait3A_159 : memref<10240x128xf32, #tpu.memory_space<vmem_shared>>)
      %dma_wait3A_160 = arith.constant 0 : i32
      %dma_wait3A_161 = tpu.memref_slice %arg9[%dma_wait3A_160] : memref<10240xf32, #tpu.memory_space<vmem_shared>> -> memref<10240xf32, #tpu.memory_space<vmem_shared>>
      tpu.wait_indirect_dma semaphore(%arg32 : memref<!tpu.dma_semaphore, #tpu.memory_space<semaphore_mem>>) src(%arg24 : memref<64xf32, #tpu.memory_space<vmem>>) dst(%dma_wait3A_161 : memref<10240xf32, #tpu.memory_space<vmem_shared>>)
      %get3A = arith.constant 0 : i32
      %get3A_162 = arith.index_cast %get3A : i32 to index
      %get3A_163 = arith.constant 0 : index
      %get3A_164 = tpu.vector_load %arg10[%get3A_162, %get3A_163] {strides = array<i32>} : memref<2x128xi32, #tpu.memory_space<vmem>>, vector<1x16xi32>,
      %get3A_165 = vector.shape_cast %get3A_164 : vector<1x16xi32> to vector<16xi32>
      %swap3A_166 = arith.constant 0 : index
      %swap3A_167 = tpu.vector_load %arg12[%swap3A_166] {strides = array<i32>} : memref<64xi32, #tpu.memory_space<vmem>>, vector<16xi32>,
      %swap3A_168 = vector.shape_cast %swap3A_167 : vector<16xi32> to vector<16xi32>
      %swap3A_169 = vector.shape_cast %get3A_165 : vector<16xi32> to vector<16xi32>
      tpu.vector_store %arg12[%swap3A_166], %swap3A_169 {strides = array<i32>} : memref<64xi32, #tpu.memory_space<vmem>>, vector<16xi32>,
      %get3A_170 = arith.constant 1 : i32
      %get3A_171 = arith.index_cast %get3A_170 : i32 to index
      %get3A_172 = arith.constant 0 : index
      %get3A_173 = tpu.vector_load %arg10[%get3A_171, %get3A_172] {strides = array<i32>} : memref<2x128xi32, #tpu.memory_space<vmem>>, vector<1x16xi32>,
      %get3A_174 = vector.shape_cast %get3A_173 : vector<1x16xi32> to vector<16xi32>
      %swap3A_175 = arith.constant 0 : index
      %swap3A_176 = tpu.vector_load %arg16[%swap3A_175] {strides = array<i32>} : memref<64xi32, #tpu.memory_space<vmem>>, vector<16xi32>,
      %swap3A_177 = vector.shape_cast %swap3A_176 : vector<16xi32> to vector<16xi32>
      %swap3A_178 = vector.shape_cast %get3A_174 : vector<16xi32> to vector<16xi32>
      tpu.vector_store %arg16[%swap3A_175], %swap3A_178 {strides = array<i32>} : memref<64xi32, #tpu.memory_space<vmem>>, vector<16xi32>,
      %get3A_179 = arith.constant 0 : i32
      %get3A_180 = arith.index_cast %get3A_179 : i32 to index
      %get3A_181 = arith.constant 16 : index
      %get3A_182 = tpu.vector_load %arg10[%get3A_180, %get3A_181] {strides = array<i32>} : memref<2x128xi32, #tpu.memory_space<vmem>>, vector<1x16xi32>,
      %get3A_183 = vector.shape_cast %get3A_182 : vector<1x16xi32> to vector<16xi32>
      %swap3A_184 = arith.constant 16 : index
      %swap3A_185 = tpu.vector_load %arg12[%swap3A_184] {strides = array<i32>} : memref<64xi32, #tpu.memory_space<vmem>>, vector<16xi32>,
      %swap3A_186 = vector.shape_cast %swap3A_185 : vector<16xi32> to vector<16xi32>
      %swap3A_187 = vector.shape_cast %get3A_183 : vector<16xi32> to vector<16xi32>
      tpu.vector_store %arg12[%swap3A_184], %swap3A_187 {strides = array<i32>} : memref<64xi32, #tpu.memory_space<vmem>>, vector<16xi32>,
      %get3A_188 = arith.constant 1 : i32
      %get3A_189 = arith.index_cast %get3A_188 : i32 to index
      %get3A_190 = arith.constant 16 : index
      %get3A_191 = tpu.vector_load %arg10[%get3A_189, %get3A_190] {strides = array<i32>} : memref<2x128xi32, #tpu.memory_space<vmem>>, vector<1x16xi32>,
      %get3A_192 = vector.shape_cast %get3A_191 : vector<1x16xi32> to vector<16xi32>
      %swap3A_193 = arith.constant 16 : index
      %swap3A_194 = tpu.vector_load %arg16[%swap3A_193] {strides = array<i32>} : memref<64xi32, #tpu.memory_space<vmem>>, vector<16xi32>,
      %swap3A_195 = vector.shape_cast %swap3A_194 : vector<16xi32> to vector<16xi32>
      %swap3A_196 = vector.shape_cast %get3A_192 : vector<16xi32> to vector<16xi32>
      tpu.vector_store %arg16[%swap3A_193], %swap3A_196 {strides = array<i32>} : memref<64xi32, #tpu.memory_space<vmem>>, vector<16xi32>,
      %get3A_197 = arith.constant 0 : i32
      %get3A_198 = arith.index_cast %get3A_197 : i32 to index
      %get3A_199 = arith.constant 32 : index
      %get3A_200 = tpu.vector_load %arg10[%get3A_198, %get3A_199] {strides = array<i32>} : memref<2x128xi32, #tpu.memory_space<vmem>>, vector<1x16xi32>,
      %get3A_201 = vector.shape_cast %get3A_200 : vector<1x16xi32> to vector<16xi32>
      %swap3A_202 = arith.constant 32 : index
      %swap3A_203 = tpu.vector_load %arg12[%swap3A_202] {strides = array<i32>} : memref<64xi32, #tpu.memory_space<vmem>>, vector<16xi32>,
      %swap3A_204 = vector.shape_cast %swap3A_203 : vector<16xi32> to vector<16xi32>
      %swap3A_205 = vector.shape_cast %get3A_201 : vector<16xi32> to vector<16xi32>
      tpu.vector_store %arg12[%swap3A_202], %swap3A_205 {strides = array<i32>} : memref<64xi32, #tpu.memory_space<vmem>>, vector<16xi32>,
      %get3A_206 = arith.constant 1 : i32
      %get3A_207 = arith.index_cast %get3A_206 : i32 to index
      %get3A_208 = arith.constant 32 : index
      %get3A_209 = tpu.vector_load %arg10[%get3A_207, %get3A_208] {strides = array<i32>} : memref<2x128xi32, #tpu.memory_space<vmem>>, vector<1x16xi32>,
      %get3A_210 = vector.shape_cast %get3A_209 : vector<1x16xi32> to vector<16xi32>
      %swap3A_211 = arith.constant 32 : index
      %swap3A_212 = tpu.vector_load %arg16[%swap3A_211] {strides = array<i32>} : memref<64xi32, #tpu.memory_space<vmem>>, vector<16xi32>,
      %swap3A_213 = vector.shape_cast %swap3A_212 : vector<16xi32> to vector<16xi32>
      %swap3A_214 = vector.shape_cast %get3A_210 : vector<16xi32> to vector<16xi32>
      tpu.vector_store %arg16[%swap3A_211], %swap3A_214 {strides = array<i32>} : memref<64xi32, #tpu.memory_space<vmem>>, vector<16xi32>,
      %get3A_215 = arith.constant 0 : i32
      %get3A_216 = arith.index_cast %get3A_215 : i32 to index
      %get3A_217 = arith.constant 48 : index
      %get3A_218 = tpu.vector_load %arg10[%get3A_216, %get3A_217] {strides = array<i32>} : memref<2x128xi32, #tpu.memory_space<vmem>>, vector<1x16xi32>,
      %get3A_219 = vector.shape_cast %get3A_218 : vector<1x16xi32> to vector<16xi32>
      %swap3A_220 = arith.constant 48 : index
      %swap3A_221 = tpu.vector_load %arg12[%swap3A_220] {strides = array<i32>} : memref<64xi32, #tpu.memory_space<vmem>>, vector<16xi32>,
      %swap3A_222 = vector.shape_cast %swap3A_221 : vector<16xi32> to vector<16xi32>
      %swap3A_223 = vector.shape_cast %get3A_219 : vector<16xi32> to vector<16xi32>
      tpu.vector_store %arg12[%swap3A_220], %swap3A_223 {strides = array<i32>} : memref<64xi32, #tpu.memory_space<vmem>>, vector<16xi32>,
      %get3A_224 = arith.constant 1 : i32
      %get3A_225 = arith.index_cast %get3A_224 : i32 to index
      %get3A_226 = arith.constant 48 : index
      %get3A_227 = tpu.vector_load %arg10[%get3A_225, %get3A_226] {strides = array<i32>} : memref<2x128xi32, #tpu.memory_space<vmem>>, vector<1x16xi32>,
      %get3A_228 = vector.shape_cast %get3A_227 : vector<1x16xi32> to vector<16xi32>
      %swap3A_229 = arith.constant 48 : index
      %swap3A_230 = tpu.vector_load %arg16[%swap3A_229] {strides = array<i32>} : memref<64xi32, #tpu.memory_space<vmem>>, vector<16xi32>,
      %swap3A_231 = vector.shape_cast %swap3A_230 : vector<16xi32> to vector<16xi32>
      %swap3A_232 = vector.shape_cast %get3A_228 : vector<16xi32> to vector<16xi32>
      tpu.vector_store %arg16[%swap3A_229], %swap3A_232 {strides = array<i32>} : memref<64xi32, #tpu.memory_space<vmem>>, vector<16xi32>,
      %get3A_233 = arith.constant 0 : i32
      %get3A_234 = arith.index_cast %get3A_233 : i32 to index
      %get3A_235 = arith.constant 64 : index
      %get3A_236 = tpu.vector_load %arg10[%get3A_234, %get3A_235] {strides = array<i32>} : memref<2x128xi32, #tpu.memory_space<vmem>>, vector<1x16xi32>,
      %get3A_237 = vector.shape_cast %get3A_236 : vector<1x16xi32> to vector<16xi32>
      %swap3A_238 = arith.constant 0 : index
      %swap3A_239 = tpu.vector_load %arg13[%swap3A_238] {strides = array<i32>} : memref<64xi32, #tpu.memory_space<vmem>>, vector<16xi32>,
      %swap3A_240 = vector.shape_cast %swap3A_239 : vector<16xi32> to vector<16xi32>
      %swap3A_241 = vector.shape_cast %get3A_237 : vector<16xi32> to vector<16xi32>
      tpu.vector_store %arg13[%swap3A_238], %swap3A_241 {strides = array<i32>} : memref<64xi32, #tpu.memory_space<vmem>>, vector<16xi32>,
      %get3A_242 = arith.constant 1 : i32
      %get3A_243 = arith.index_cast %get3A_242 : i32 to index
      %get3A_244 = arith.constant 64 : index
      %get3A_245 = tpu.vector_load %arg10[%get3A_243, %get3A_244] {strides = array<i32>} : memref<2x128xi32, #tpu.memory_space<vmem>>, vector<1x16xi32>,
      %get3A_246 = vector.shape_cast %get3A_245 : vector<1x16xi32> to vector<16xi32>
      %swap3A_247 = arith.constant 0 : index
      %swap3A_248 = tpu.vector_load %arg17[%swap3A_247] {strides = array<i32>} : memref<64xi32, #tpu.memory_space<vmem>>, vector<16xi32>,
      %swap3A_249 = vector.shape_cast %swap3A_248 : vector<16xi32> to vector<16xi32>
      %swap3A_250 = vector.shape_cast %get3A_246 : vector<16xi32> to vector<16xi32>
      tpu.vector_store %arg17[%swap3A_247], %swap3A_250 {strides = array<i32>} : memref<64xi32, #tpu.memory_space<vmem>>, vector<16xi32>,
      %get3A_251 = arith.constant 0 : i32
      %get3A_252 = arith.index_cast %get3A_251 : i32 to index
      %get3A_253 = arith.constant 80 : index
      %get3A_254 = tpu.vector_load %arg10[%get3A_252, %get3A_253] {strides = array<i32>} : memref<2x128xi32, #tpu.memory_space<vmem>>, vector<1x16xi32>,
      %get3A_255 = vector.shape_cast %get3A_254 : vector<1x16xi32> to vector<16xi32>
      %swap3A_256 = arith.constant 16 : index
      %swap3A_257 = tpu.vector_load %arg13[%swap3A_256] {strides = array<i32>} : memref<64xi32, #tpu.memory_space<vmem>>, vector<16xi32>,
      %swap3A_258 = vector.shape_cast %swap3A_257 : vector<16xi32> to vector<16xi32>
      %swap3A_259 = vector.shape_cast %get3A_255 : vector<16xi32> to vector<16xi32>
      tpu.vector_store %arg13[%swap3A_256], %swap3A_259 {strides = array<i32>} : memref<64xi32, #tpu.memory_space<vmem>>, vector<16xi32>,
      %get3A_260 = arith.constant 1 : i32
      %get3A_261 = arith.index_cast %get3A_260 : i32 to index
      %get3A_262 = arith.constant 80 : index
      %get3A_263 = tpu.vector_load %arg10[%get3A_261, %get3A_262] {strides = array<i32>} : memref<2x128xi32, #tpu.memory_space<vmem>>, vector<1x16xi32>,
      %get3A_264 = vector.shape_cast %get3A_263 : vector<1x16xi32> to vector<16xi32>
      %swap3A_265 = arith.constant 16 : index
      %swap3A_266 = tpu.vector_load %arg17[%swap3A_265] {strides = array<i32>} : memref<64xi32, #tpu.memory_space<vmem>>, vector<16xi32>,
      %swap3A_267 = vector.shape_cast %swap3A_266 : vector<16xi32> to vector<16xi32>
      %swap3A_268 = vector.shape_cast %get3A_264 : vector<16xi32> to vector<16xi32>
      tpu.vector_store %arg17[%swap3A_265], %swap3A_268 {strides = array<i32>} : memref<64xi32, #tpu.memory_space<vmem>>, vector<16xi32>,
      %get3A_269 = arith.constant 0 : i32
      %get3A_270 = arith.index_cast %get3A_269 : i32 to index
      %get3A_271 = arith.constant 96 : index
      %get3A_272 = tpu.vector_load %arg10[%get3A_270, %get3A_271] {strides = array<i32>} : memref<2x128xi32, #tpu.memory_space<vmem>>, vector<1x16xi32>,
      %get3A_273 = vector.shape_cast %get3A_272 : vector<1x16xi32> to vector<16xi32>
      %swap3A_274 = arith.constant 32 : index
      %swap3A_275 = tpu.vector_load %arg13[%swap3A_274] {strides = array<i32>} : memref<64xi32, #tpu.memory_space<vmem>>, vector<16xi32>,
      %swap3A_276 = vector.shape_cast %swap3A_275 : vector<16xi32> to vector<16xi32>
      %swap3A_277 = vector.shape_cast %get3A_273 : vector<16xi32> to vector<16xi32>
      tpu.vector_store %arg13[%swap3A_274], %swap3A_277 {strides = array<i32>} : memref<64xi32, #tpu.memory_space<vmem>>, vector<16xi32>,
      %get3A_278 = arith.constant 1 : i32
      %get3A_279 = arith.index_cast %get3A_278 : i32 to index
      %get3A_280 = arith.constant 96 : index
      %get3A_281 = tpu.vector_load %arg10[%get3A_279, %get3A_280] {strides = array<i32>} : memref<2x128xi32, #tpu.memory_space<vmem>>, vector<1x16xi32>,
      %get3A_282 = vector.shape_cast %get3A_281 : vector<1x16xi32> to vector<16xi32>
      %swap3A_283 = arith.constant 32 : index
      %swap3A_284 = tpu.vector_load %arg17[%swap3A_283] {strides = array<i32>} : memref<64xi32, #tpu.memory_space<vmem>>, vector<16xi32>,
      %swap3A_285 = vector.shape_cast %swap3A_284 : vector<16xi32> to vector<16xi32>
      %swap3A_286 = vector.shape_cast %get3A_282 : vector<16xi32> to vector<16xi32>
      tpu.vector_store %arg17[%swap3A_283], %swap3A_286 {strides = array<i32>} : memref<64xi32, #tpu.memory_space<vmem>>, vector<16xi32>,
      %get3A_287 = arith.constant 0 : i32
      %get3A_288 = arith.index_cast %get3A_287 : i32 to index
      %get3A_289 = arith.constant 112 : index
      %get3A_290 = tpu.vector_load %arg10[%get3A_288, %get3A_289] {strides = array<i32>} : memref<2x128xi32, #tpu.memory_space<vmem>>, vector<1x16xi32>,
      %get3A_291 = vector.shape_cast %get3A_290 : vector<1x16xi32> to vector<16xi32>
      %swap3A_292 = arith.constant 48 : index
      %swap3A_293 = tpu.vector_load %arg13[%swap3A_292] {strides = array<i32>} : memref<64xi32, #tpu.memory_space<vmem>>, vector<16xi32>,
      %swap3A_294 = vector.shape_cast %swap3A_293 : vector<16xi32> to vector<16xi32>
      %swap3A_295 = vector.shape_cast %get3A_291 : vector<16xi32> to vector<16xi32>
      tpu.vector_store %arg13[%swap3A_292], %swap3A_295 {strides = array<i32>} : memref<64xi32, #tpu.memory_space<vmem>>, vector<16xi32>,
      %get3A_296 = arith.constant 1 : i32
      %get3A_297 = arith.index_cast %get3A_296 : i32 to index
      %get3A_298 = arith.constant 112 : index
      %get3A_299 = tpu.vector_load %arg10[%get3A_297, %get3A_298] {strides = array<i32>} : memref<2x128xi32, #tpu.memory_space<vmem>>, vector<1x16xi32>,
      %get3A_300 = vector.shape_cast %get3A_299 : vector<1x16xi32> to vector<16xi32>
      %swap3A_301 = arith.constant 48 : index
      %swap3A_302 = tpu.vector_load %arg17[%swap3A_301] {strides = array<i32>} : memref<64xi32, #tpu.memory_space<vmem>>, vector<16xi32>,
      %swap3A_303 = vector.shape_cast %swap3A_302 : vector<16xi32> to vector<16xi32>
      %swap3A_304 = vector.shape_cast %get3A_300 : vector<16xi32> to vector<16xi32>
      tpu.vector_store %arg17[%swap3A_301], %swap3A_304 {strides = array<i32>} : memref<64xi32, #tpu.memory_space<vmem>>, vector<16xi32>,
      %dma_start3A_305 = arith.constant 0 : i32
      %dma_start3A_306 = arith.constant 0 : i32
      %dma_start3A_307 = tpu.memref_slice %arg2[%dma_start3A_305, %dma_start3A_306] : memref<10000x128xf32, #tpu.memory_space<hbm>> -> memref<10000x128xf32, #tpu.memory_space<hbm>>
      tpu.enqueue_indirect_dma source(%dma_start3A_307 : memref<10000x128xf32, #tpu.memory_space<hbm>>) target(%arg20 : memref<64x128xf32, #tpu.memory_space<vmem>>) offsets(%arg12 : memref<64xi32, #tpu.memory_space<vmem>>) semaphore(%arg27 : memref<!tpu.dma_semaphore, #tpu.memory_space<semaphore_mem>>)
      %dma_start3A_308 = arith.constant 0 : i32
      %dma_start3A_309 = arith.constant 0 : i32
      %dma_start3A_310 = tpu.memref_slice %arg2[%dma_start3A_308, %dma_start3A_309] : memref<10000x128xf32, #tpu.memory_space<hbm>> -> memref<10000x128xf32, #tpu.memory_space<hbm>>
      tpu.enqueue_indirect_dma source(%dma_start3A_310 : memref<10000x128xf32, #tpu.memory_space<hbm>>) target(%arg21 : memref<64x128xf32, #tpu.memory_space<vmem>>) offsets(%arg13 : memref<64xi32, #tpu.memory_space<vmem>>) semaphore(%arg28 : memref<!tpu.dma_semaphore, #tpu.memory_space<semaphore_mem>>)
      %dma_wait3A_311 = arith.constant 0 : i32
      %dma_wait3A_312 = arith.constant 0 : i32
      %dma_wait3A_313 = tpu.memref_slice %arg2[%dma_wait3A_311, %dma_wait3A_312] : memref<10000x128xf32, #tpu.memory_space<hbm>> -> memref<10000x128xf32, #tpu.memory_space<hbm>>
      tpu.wait_indirect_dma semaphore(%arg27 : memref<!tpu.dma_semaphore, #tpu.memory_space<semaphore_mem>>) src(%dma_wait3A_313 : memref<10000x128xf32, #tpu.memory_space<hbm>>) dst(%arg20 : memref<64x128xf32, #tpu.memory_space<vmem>>)
      %dma_start3A_314 = arith.constant 0 : i32
      %dma_start3A_315 = arith.constant 0 : i32
      %dma_start3A_316 = tpu.memref_slice %arg8[%dma_start3A_314, %dma_start3A_315] : memref<10240x128xf32, #tpu.memory_space<vmem_shared>> -> memref<10240x128xf32, #tpu.memory_space<vmem_shared>>
      tpu.enqueue_indirect_dma source(%arg20 : memref<64x128xf32, #tpu.memory_space<vmem>>) target(%dma_start3A_316 : memref<10240x128xf32, #tpu.memory_space<vmem_shared>>) offsets(%arg16 : memref<64xi32, #tpu.memory_space<vmem>>) semaphore(%arg31 : memref<!tpu.dma_semaphore, #tpu.memory_space<semaphore_mem>>) {add = true}
      %dma_start3A_317 = arith.constant 0 : i32
      %dma_start3A_318 = tpu.memref_slice %arg9[%dma_start3A_317] : memref<10240xf32, #tpu.memory_space<vmem_shared>> -> memref<10240xf32, #tpu.memory_space<vmem_shared>>
      tpu.enqueue_indirect_dma source(%arg24 : memref<64xf32, #tpu.memory_space<vmem>>) target(%dma_start3A_318 : memref<10240xf32, #tpu.memory_space<vmem_shared>>) offsets(%arg16 : memref<64xi32, #tpu.memory_space<vmem>>) semaphore(%arg31 : memref<!tpu.dma_semaphore, #tpu.memory_space<semaphore_mem>>) {add = true}
      %dma_wait3A_319 = arith.constant 0 : i32
      %dma_wait3A_320 = arith.constant 0 : i32
      %dma_wait3A_321 = tpu.memref_slice %arg2[%dma_wait3A_319, %dma_wait3A_320] : memref<10000x128xf32, #tpu.memory_space<hbm>> -> memref<10000x128xf32, #tpu.memory_space<hbm>>
      tpu.wait_indirect_dma semaphore(%arg28 : memref<!tpu.dma_semaphore, #tpu.memory_space<semaphore_mem>>) src(%dma_wait3A_321 : memref<10000x128xf32, #tpu.memory_space<hbm>>) dst(%arg21 : memref<64x128xf32, #tpu.memory_space<vmem>>)
      %dma_start3A_322 = arith.constant 0 : i32
      %dma_start3A_323 = arith.constant 0 : i32
      %dma_start3A_324 = tpu.memref_slice %arg8[%dma_start3A_322, %dma_start3A_323] : memref<10240x128xf32, #tpu.memory_space<vmem_shared>> -> memref<10240x128xf32, #tpu.memory_space<vmem_shared>>
      tpu.enqueue_indirect_dma source(%arg21 : memref<64x128xf32, #tpu.memory_space<vmem>>) target(%dma_start3A_324 : memref<10240x128xf32, #tpu.memory_space<vmem_shared>>) offsets(%arg17 : memref<64xi32, #tpu.memory_space<vmem>>) semaphore(%arg32 : memref<!tpu.dma_semaphore, #tpu.memory_space<semaphore_mem>>) {add = true}
      %dma_start3A_325 = arith.constant 0 : i32
      %dma_start3A_326 = tpu.memref_slice %arg9[%dma_start3A_325] : memref<10240xf32, #tpu.memory_space<vmem_shared>> -> memref<10240xf32, #tpu.memory_space<vmem_shared>>
      tpu.enqueue_indirect_dma source(%arg24 : memref<64xf32, #tpu.memory_space<vmem>>) target(%dma_start3A_326 : memref<10240xf32, #tpu.memory_space<vmem_shared>>) offsets(%arg17 : memref<64xi32, #tpu.memory_space<vmem>>) semaphore(%arg32 : memref<!tpu.dma_semaphore, #tpu.memory_space<semaphore_mem>>) {add = true}
      %dma_wait3A_327 = arith.constant 0 : i32
      %dma_wait3A_328 = arith.constant 0 : i32
      %dma_wait3A_329 = tpu.memref_slice %arg8[%dma_wait3A_327, %dma_wait3A_328] : memref<10240x128xf32, #tpu.memory_space<vmem_shared>> -> memref<10240x128xf32, #tpu.memory_space<vmem_shared>>
      tpu.wait_indirect_dma semaphore(%arg31 : memref<!tpu.dma_semaphore, #tpu.memory_space<semaphore_mem>>) src(%arg20 : memref<64x128xf32, #tpu.memory_space<vmem>>) dst(%dma_wait3A_329 : memref<10240x128xf32, #tpu.memory_space<vmem_shared>>)
      %dma_wait3A_330 = arith.constant 0 : i32
      %dma_wait3A_331 = tpu.memref_slice %arg9[%dma_wait3A_330] : memref<10240xf32, #tpu.memory_space<vmem_shared>> -> memref<10240xf32, #tpu.memory_space<vmem_shared>>
      tpu.wait_indirect_dma semaphore(%arg31 : memref<!tpu.dma_semaphore, #tpu.memory_space<semaphore_mem>>) src(%arg24 : memref<64xf32, #tpu.memory_space<vmem>>) dst(%dma_wait3A_331 : memref<10240xf32, #tpu.memory_space<vmem_shared>>)
      %dma_wait3A_332 = arith.constant 0 : i32
      %dma_wait3A_333 = arith.constant 0 : i32
      %dma_wait3A_334 = tpu.memref_slice %arg8[%dma_wait3A_332, %dma_wait3A_333] : memref<10240x128xf32, #tpu.memory_space<vmem_shared>> -> memref<10240x128xf32, #tpu.memory_space<vmem_shared>>
      tpu.wait_indirect_dma semaphore(%arg32 : memref<!tpu.dma_semaphore, #tpu.memory_space<semaphore_mem>>) src(%arg21 : memref<64x128xf32, #tpu.memory_space<vmem>>) dst(%dma_wait3A_334 : memref<10240x128xf32, #tpu.memory_space<vmem_shared>>)
      %dma_wait3A_335 = arith.constant 0 : i32
      %dma_wait3A_336 = tpu.memref_slice %arg9[%dma_wait3A_335] : memref<10240xf32, #tpu.memory_space<vmem_shared>> -> memref<10240xf32, #tpu.memory_space<vmem_shared>>
      tpu.wait_indirect_dma semaphore(%arg32 : memref<!tpu.dma_semaphore, #tpu.memory_space<semaphore_mem>>) src(%arg24 : memref<64xf32, #tpu.memory_space<vmem>>) dst(%dma_wait3A_336 : memref<10240xf32, #tpu.memory_space<vmem_shared>>)
    } else {
    }
    %jit3A_95 = arith.constant 2 : i32
    %eq3A_96 = arith.constant 0 : i32
    %eq3A_97 = arith.cmpi eq, %jit3A_95, %eq3A_96 : i32
    %jit3A_98 = arith.constant 1 : i32
    %select_n3A_99 = arith.select %eq3A_97, %jit3A_98, %jit3A_95 : i32
    %rem3A_100 = arith.remsi %add3A_30, %select_n3A_99 : i32
    %ne3A_101 = arith.constant 0 : i32
    %ne3A_102 = arith.cmpi ne, %rem3A_100, %ne3A_101 : i32
    %lt3A_103 = arith.constant 0 : i32
    %lt3A_104 = arith.cmpi slt, %rem3A_100, %lt3A_103 : i32
    %lt3A_105 = arith.constant 0 : i32
    %lt3A_106 = arith.cmpi slt, %select_n3A_99, %lt3A_105 : i32
    %ne3A_107 = arith.xori %lt3A_104, %lt3A_106 : i1
    %and3A_108 = arith.andi %ne3A_107, %ne3A_102 : i1
    %add3A_109 = arith.addi %rem3A_100, %select_n3A_99 : i32
    %select_n3A_110 = arith.select %and3A_108, %add3A_109, %rem3A_100 : i32
    %eq3A_111 = arith.constant 0 : i32
    %eq3A_112 = arith.cmpi eq, %select_n3A_110, %eq3A_111 : i32
    %convert_element_type3A_113 = arith.extui %eq3A_112 : i1 to i32
    %cond3A_114 = arith.constant 0 : i32
    %cond3A_115 = arith.cmpi ne, %convert_element_type3A_113, %cond3A_114 : i32
    scf.if %cond3A_115 {
      %dma_wait3A_143 = arith.constant 0 : i32
      %dma_wait3A_144 = arith.constant 0 : i32
      %dma_wait3A_145 = tpu.memref_slice %arg8[%dma_wait3A_143, %dma_wait3A_144] : memref<10240x128xf32, #tpu.memory_space<vmem_shared>> -> memref<10240x128xf32, #tpu.memory_space<vmem_shared>>
      tpu.wait_indirect_dma semaphore(%arg31 : memref<!tpu.dma_semaphore, #tpu.memory_space<semaphore_mem>>) src(%arg20 : memref<64x128xf32, #tpu.memory_space<vmem>>) dst(%dma_wait3A_145 : memref<10240x128xf32, #tpu.memory_space<vmem_shared>>)
      %dma_wait3A_146 = arith.constant 0 : i32
      %dma_wait3A_147 = tpu.memref_slice %arg9[%dma_wait3A_146] : memref<10240xf32, #tpu.memory_space<vmem_shared>> -> memref<10240xf32, #tpu.memory_space<vmem_shared>>
      tpu.wait_indirect_dma semaphore(%arg31 : memref<!tpu.dma_semaphore, #tpu.memory_space<semaphore_mem>>) src(%arg24 : memref<64xf32, #tpu.memory_space<vmem>>) dst(%dma_wait3A_147 : memref<10240xf32, #tpu.memory_space<vmem_shared>>)
      %dma_wait3A_148 = arith.constant 0 : i32
      %dma_wait3A_149 = arith.constant 0 : i32
      %dma_wait3A_150 = tpu.memref_slice %arg8[%dma_wait3A_148, %dma_wait3A_149] : memref<10240x128xf32, #tpu.memory_space<vmem_shared>> -> memref<10240x128xf32, #tpu.memory_space<vmem_shared>>
      tpu.wait_indirect_dma semaphore(%arg32 : memref<!tpu.dma_semaphore, #tpu.memory_space<semaphore_mem>>) src(%arg21 : memref<64x128xf32, #tpu.memory_space<vmem>>) dst(%dma_wait3A_150 : memref<10240x128xf32, #tpu.memory_space<vmem_shared>>)
      %dma_wait3A_151 = arith.constant 0 : i32
      %dma_wait3A_152 = tpu.memref_slice %arg9[%dma_wait3A_151] : memref<10240xf32, #tpu.memory_space<vmem_shared>> -> memref<10240xf32, #tpu.memory_space<vmem_shared>>
      tpu.wait_indirect_dma semaphore(%arg32 : memref<!tpu.dma_semaphore, #tpu.memory_space<semaphore_mem>>) src(%arg24 : memref<64xf32, #tpu.memory_space<vmem>>) dst(%dma_wait3A_152 : memref<10240xf32, #tpu.memory_space<vmem_shared>>)
    } else {
    }
    %dma_wait3A = arith.constant 0 : i32
    %dma_wait3A_116 = arith.constant 0 : i32
    %dma_wait3A_117 = tpu.memref_slice %arg8[%dma_wait3A, %dma_wait3A_116] : memref<10240x128xf32, #tpu.memory_space<vmem_shared>> -> memref<10240x128xf32, #tpu.memory_space<vmem_shared>>
    tpu.wait_indirect_dma semaphore(%arg33 : memref<!tpu.dma_semaphore, #tpu.memory_space<semaphore_mem>>) src(%arg22 : memref<64x128xf32, #tpu.memory_space<vmem>>) dst(%dma_wait3A_117 : memref<10240x128xf32, #tpu.memory_space<vmem_shared>>)
    %dma_wait3A_118 = arith.constant 0 : i32
    %dma_wait3A_119 = tpu.memref_slice %arg9[%dma_wait3A_118] : memref<10240xf32, #tpu.memory_space<vmem_shared>> -> memref<10240xf32, #tpu.memory_space<vmem_shared>>
    tpu.wait_indirect_dma semaphore(%arg33 : memref<!tpu.dma_semaphore, #tpu.memory_space<semaphore_mem>>) src(%arg24 : memref<64xf32, #tpu.memory_space<vmem>>) dst(%dma_wait3A_119 : memref<10240xf32, #tpu.memory_space<vmem_shared>>)
    %dma_wait3A_120 = arith.constant 0 : i32
    %dma_wait3A_121 = arith.constant 0 : i32
    %dma_wait3A_122 = tpu.memref_slice %arg8[%dma_wait3A_120, %dma_wait3A_121] : memref<10240x128xf32, #tpu.memory_space<vmem_shared>> -> memref<10240x128xf32, #tpu.memory_space<vmem_shared>>
    tpu.wait_indirect_dma semaphore(%arg34 : memref<!tpu.dma_semaphore, #tpu.memory_space<semaphore_mem>>) src(%arg23 : memref<64x128xf32, #tpu.memory_space<vmem>>) dst(%dma_wait3A_122 : memref<10240x128xf32, #tpu.memory_space<vmem_shared>>)
    %dma_wait3A_123 = arith.constant 0 : i32
    %dma_wait3A_124 = tpu.memref_slice %arg9[%dma_wait3A_123] : memref<10240xf32, #tpu.memory_space<vmem_shared>> -> memref<10240xf32, #tpu.memory_space<vmem_shared>>
    tpu.wait_indirect_dma semaphore(%arg34 : memref<!tpu.dma_semaphore, #tpu.memory_space<semaphore_mem>>) src(%arg24 : memref<64xf32, #tpu.memory_space<vmem>>) dst(%dma_wait3A_124 : memref<10240xf32, #tpu.memory_space<vmem_shared>>)
    %barrier3A_125 = arith.constant 0 : index
    tpu.barrier barrier_id(%barrier3A_125)
    %mul3A_126 = arith.constant 640 : i32
    %mul3A_127 = arith.muli %arg1, %mul3A_126 : i32
    %mul3A_128 = arith.constant 10240 : i32
    %mul3A_129 = arith.muli %arg0, %mul3A_128 : i32
    %mul3A_130 = arith.constant 640 : i32
    %mul3A_131 = arith.muli %arg1, %mul3A_130 : i32
    %add3A_132 = arith.addi %mul3A_129, %mul3A_131 : i32
    "tpu.region"() ({
      %run_scoped3A = tpu.sem_alloc : memref<!tpu.dma_semaphore, #tpu.memory_space<semaphore_mem>>
      %dma_start3A_143 = tpu.memref_slice %arg7[%add3A_132] : memref<20480xf32, #tpu.memory_space<hbm>> -> memref<640xf32, #tpu.memory_space<hbm>>
      %dma_start3A_144 = tpu.memref_slice %arg9[%mul3A_127] : memref<10240xf32, #tpu.memory_space<vmem_shared>> -> memref<640xf32, #tpu.memory_space<vmem_shared>>
      tpu.enqueue_dma source(%dma_start3A_144 : memref<640xf32, #tpu.memory_space<vmem_shared>>) target(%dma_start3A_143 : memref<640xf32, #tpu.memory_space<hbm>>) target_semaphore(%run_scoped3A : memref<!tpu.dma_semaphore, #tpu.memory_space<semaphore_mem>>)
      %dma_wait3A_145 = tpu.memref_slice %arg7[%add3A_132] : memref<20480xf32, #tpu.memory_space<hbm>> -> memref<640xf32, #tpu.memory_space<hbm>>
      %dma_wait3A_146 = tpu.memref_slice %arg9[%mul3A_127] : memref<10240xf32, #tpu.memory_space<vmem_shared>> -> memref<640xf32, #tpu.memory_space<vmem_shared>>
      tpu.wait_dma2 semaphore(%run_scoped3A : memref<!tpu.dma_semaphore, #tpu.memory_space<semaphore_mem>>) src(%dma_wait3A_146 : memref<640xf32, #tpu.memory_space<vmem_shared>>) dst(%dma_wait3A_145 : memref<640xf32, #tpu.memory_space<hbm>>)
      tpu.yield
    }) : () -> ()
    %lt3A_133 = arith.constant 15 : i32
    %lt3A_134 = arith.cmpi slt, %arg1, %lt3A_133 : i32
    %convert_element_type3A_135 = arith.extui %lt3A_134 : i1 to i32
    %cond3A_136 = arith.constant 0 : i32
    %cond3A_137 = arith.cmpi ne, %convert_element_type3A_135, %cond3A_136 : i32
    scf.if %cond3A_137 {
      %mul3A_143 = arith.constant 640 : i32
      %mul3A_144 = arith.muli %arg1, %mul3A_143 : i32
      %mul3A_145 = arith.constant 10000 : i32
      %mul3A_146 = arith.muli %arg0, %mul3A_145 : i32
      %mul3A_147 = arith.constant 640 : i32
      %mul3A_148 = arith.muli %arg1, %mul3A_147 : i32
      %add3A_149 = arith.addi %mul3A_146, %mul3A_148 : i32
      "tpu.region"() ({
        %run_scoped3A = tpu.sem_alloc : memref<!tpu.dma_semaphore, #tpu.memory_space<semaphore_mem>>
        %dma_start3A_150 = arith.constant 0 : i32
        %dma_start3A_151 = tpu.memref_slice %arg6[%add3A_149, %dma_start3A_150] : memref<20000x128xf32, #tpu.memory_space<hbm>> -> memref<640x128xf32, #tpu.memory_space<hbm>>
        %dma_start3A_152 = arith.constant 0 : i32
        %dma_start3A_153 = tpu.memref_slice %arg8[%mul3A_144, %dma_start3A_152] : memref<10240x128xf32, #tpu.memory_space<vmem_shared>> -> memref<640x128xf32, #tpu.memory_space<vmem_shared>>
        tpu.enqueue_dma source(%dma_start3A_153 : memref<640x128xf32, #tpu.memory_space<vmem_shared>>) target(%dma_start3A_151 : memref<640x128xf32, #tpu.memory_space<hbm>>) target_semaphore(%run_scoped3A : memref<!tpu.dma_semaphore, #tpu.memory_space<semaphore_mem>>)
        %dma_wait3A_154 = arith.constant 0 : i32
        %dma_wait3A_155 = tpu.memref_slice %arg6[%add3A_149, %dma_wait3A_154] : memref<20000x128xf32, #tpu.memory_space<hbm>> -> memref<640x128xf32, #tpu.memory_space<hbm>>
        %dma_wait3A_156 = arith.constant 0 : i32
        %dma_wait3A_157 = tpu.memref_slice %arg8[%mul3A_144, %dma_wait3A_156] : memref<10240x128xf32, #tpu.memory_space<vmem_shared>> -> memref<640x128xf32, #tpu.memory_space<vmem_shared>>
        tpu.wait_dma2 semaphore(%run_scoped3A : memref<!tpu.dma_semaphore, #tpu.memory_space<semaphore_mem>>) src(%dma_wait3A_157 : memref<640x128xf32, #tpu.memory_space<vmem_shared>>) dst(%dma_wait3A_155 : memref<640x128xf32, #tpu.memory_space<hbm>>)
        tpu.yield
      }) : () -> ()
    } else {
    }
    %eq3A_138 = arith.constant 15 : i32
    %eq3A_139 = arith.cmpi eq, %arg1, %eq3A_138 : i32
    %convert_element_type3A_140 = arith.extui %eq3A_139 : i1 to i32
    %cond3A_141 = arith.constant 0 : i32
    %cond3A_142 = arith.cmpi ne, %convert_element_type3A_140, %cond3A_141 : i32
    scf.if %cond3A_142 {
      %mul3A_143 = arith.constant 10000 : i32
      %mul3A_144 = arith.muli %arg0, %mul3A_143 : i32
      %add3A_145 = arith.constant 9600 : i32
      %add3A_146 = arith.addi %mul3A_144, %add3A_145 : i32
      "tpu.region"() ({
        %run_scoped3A = tpu.sem_alloc : memref<!tpu.dma_semaphore, #tpu.memory_space<semaphore_mem>>
        %dma_start3A_147 = arith.constant 0 : i32
        %dma_start3A_148 = tpu.memref_slice %arg6[%add3A_146, %dma_start3A_147] : memref<20000x128xf32, #tpu.memory_space<hbm>> -> memref<400x128xf32, #tpu.memory_space<hbm>>
        %dma_start3A_149 = arith.constant 9600 : i32
        %dma_start3A_150 = arith.constant 0 : i32
        %dma_start3A_151 = tpu.memref_slice %arg8[%dma_start3A_149, %dma_start3A_150] : memref<10240x128xf32, #tpu.memory_space<vmem_shared>> -> memref<400x128xf32, #tpu.memory_space<vmem_shared>>
        tpu.enqueue_dma source(%dma_start3A_151 : memref<400x128xf32, #tpu.memory_space<vmem_shared>>) target(%dma_start3A_148 : memref<400x128xf32, #tpu.memory_space<hbm>>) target_semaphore(%run_scoped3A : memref<!tpu.dma_semaphore, #tpu.memory_space<semaphore_mem>>)
        %dma_wait3A_152 = arith.constant 0 : i32
        %dma_wait3A_153 = tpu.memref_slice %arg6[%add3A_146, %dma_wait3A_152] : memref<20000x128xf32, #tpu.memory_space<hbm>> -> memref<400x128xf32, #tpu.memory_space<hbm>>
        %dma_wait3A_154 = arith.constant 9600 : i32
        %dma_wait3A_155 = arith.constant 0 : i32
        %dma_wait3A_156 = tpu.memref_slice %arg8[%dma_wait3A_154, %dma_wait3A_155] : memref<10240x128xf32, #tpu.memory_space<vmem_shared>> -> memref<400x128xf32, #tpu.memory_space<vmem_shared>>
        tpu.wait_dma2 semaphore(%run_scoped3A : memref<!tpu.dma_semaphore, #tpu.memory_space<semaphore_mem>>) src(%dma_wait3A_156 : memref<400x128xf32, #tpu.memory_space<vmem_shared>>) dst(%dma_wait3A_153 : memref<400x128xf32, #tpu.memory_space<hbm>>)
        tpu.yield
      }) : () -> ()
    } else {
    }
    return
  }
}

module attributes {stable_mosaic.version = 14 : i64} {
  func.func @body(%arg0: i32, %arg1: memref<2000x128xf32, #tpu.memory_space<vmem>>, %arg2: memref<2000x128xf32, #tpu.memory_space<vmem>>, %arg3: memref<2000x128xf32, #tpu.memory_space<vmem>>, %arg4: memref<2000x1xf32, #tpu.memory_space<vmem>>, %arg5: memref<128x128xf32, #tpu.memory_space<vmem>>, %arg6: memref<1x128xf32, #tpu.memory_space<vmem>>, %arg7: memref<128x128xf32, #tpu.memory_space<vmem>>, %arg8: memref<1x128xf32, #tpu.memory_space<vmem>>, %arg9: memref<128x128xf32, #tpu.memory_space<vmem>>, %arg10: memref<1x128xf32, #tpu.memory_space<vmem>>, %arg11: memref<1x128xf32, #tpu.memory_space<vmem>>, %arg12: memref<128x128xf32, #tpu.memory_space<vmem>>, %arg13: memref<1x128xf32, #tpu.memory_space<vmem>>, %arg14: memref<2000x128xf32, #tpu.memory_space<vmem>>) attributes {dimension_semantics = [#tpu.dimension_semantics<arbitrary>], iteration_bounds = array<i64: 5>, scalar_prefetch = 0 : i64, scratch_operands = 0 : i64, tpu.core_type = #tpu.core_type<tc>, window_params = [{transform_indices = @transform_0, window_bounds = array<i64: 2000, 128>}, {transform_indices = @transform_1, window_bounds = array<i64: 2000, 128>}, {transform_indices = @transform_2, window_bounds = array<i64: 2000, 128>}, {transform_indices = @transform_3, window_bounds = array<i64: 2000, 1>}, {pipeline_mode = #tpu.pipeline_mode<synchronous>, transform_indices = @transform_4, window_bounds = array<i64: 128, 128>}, {pipeline_mode = #tpu.pipeline_mode<synchronous>, transform_indices = @transform_5, window_bounds = array<i64: 1, 128>}, {pipeline_mode = #tpu.pipeline_mode<synchronous>, transform_indices = @transform_6, window_bounds = array<i64: 128, 128>}, {pipeline_mode = #tpu.pipeline_mode<synchronous>, transform_indices = @transform_7, window_bounds = array<i64: 1, 128>}, {pipeline_mode = #tpu.pipeline_mode<synchronous>, transform_indices = @transform_8, window_bounds = array<i64: 128, 128>}, {pipeline_mode = #tpu.pipeline_mode<synchronous>, transform_indices = @transform_9, window_bounds = array<i64: 1, 128>}, {pipeline_mode = #tpu.pipeline_mode<synchronous>, transform_indices = @transform_10, window_bounds = array<i64: 1, 128>}, {pipeline_mode = #tpu.pipeline_mode<synchronous>, transform_indices = @transform_11, window_bounds = array<i64: 128, 128>}, {pipeline_mode = #tpu.pipeline_mode<synchronous>, transform_indices = @transform_12, window_bounds = array<i64: 1, 128>}, {transform_indices = @transform_13, window_bounds = array<i64: 2000, 128>}]} {
    %get3A = arith.constant 0 : index
    %get3A_0 = arith.constant 0 : index
    %get3A_1 = vector.load %arg1[%get3A, %get3A_0] : memref<2000x128xf32, #tpu.memory_space<vmem>>, vector<2000x128xf32>
    %get3A_2 = arith.constant 0 : index
    %get3A_3 = arith.constant 0 : index
    %get3A_4 = vector.load %arg2[%get3A_2, %get3A_3] : memref<2000x128xf32, #tpu.memory_space<vmem>>, vector<2000x128xf32>
    %get3A_5 = arith.constant 0 : index
    %get3A_6 = arith.constant 0 : index
    %get3A_7 = vector.load %arg3[%get3A_5, %get3A_6] : memref<2000x128xf32, #tpu.memory_space<vmem>>, vector<2000x128xf32>
    %add3A = arith.addf %get3A_4, %get3A_7 : vector<2000x128xf32>
    %get3A_8 = arith.constant 0 : index
    %get3A_9 = arith.constant 0 : index
    %get3A_10 = vector.load %arg4[%get3A_8, %get3A_9] : memref<2000x1xf32, #tpu.memory_space<vmem>>, vector<2000x1xf32>
    %get3A_11 = arith.constant 0 : index
    %get3A_12 = arith.constant 0 : index
    %get3A_13 = vector.load %arg5[%get3A_11, %get3A_12] : memref<128x128xf32, #tpu.memory_space<vmem>>, vector<128x128xf32>
    %dot_general3A = arith.constant dense<0.000000e+00> : vector<2000x128xf32>
    %dot_general3A_14 = tpu.matmul %get3A_1, %get3A_13, %dot_general3A {dimension_numbers = #tpu.dot_dimension_numbers<[1], [1], [0], [0], [0, 0, 1, 0], [], []>, transpose_lhs_hint = false} : vector<2000x128xf32>, vector<128x128xf32>, vector<2000x128xf32> -> vector<2000x128xf32>
    %get3A_15 = arith.constant 0 : index
    %get3A_16 = arith.constant 0 : index
    %get3A_17 = vector.load %arg6[%get3A_15, %get3A_16] : memref<1x128xf32, #tpu.memory_space<vmem>>, vector<1x128xf32>
    %add3A_18 = vector.broadcast %get3A_17 : vector<1x128xf32> to vector<2000x128xf32>
    %add3A_19 = arith.addf %dot_general3A_14, %add3A_18 : vector<2000x128xf32>
    %get3A_20 = arith.constant 0 : index
    %get3A_21 = arith.constant 0 : index
    %get3A_22 = vector.load %arg5[%get3A_20, %get3A_21] : memref<128x128xf32, #tpu.memory_space<vmem>>, vector<128x128xf32>
    %dot_general3A_23 = arith.constant dense<0.000000e+00> : vector<2000x128xf32>
    %dot_general3A_24 = tpu.matmul %add3A, %get3A_22, %dot_general3A_23 {dimension_numbers = #tpu.dot_dimension_numbers<[1], [1], [0], [0], [0, 0, 1, 0], [], []>, transpose_lhs_hint = false} : vector<2000x128xf32>, vector<128x128xf32>, vector<2000x128xf32> -> vector<2000x128xf32>
    %get3A_25 = arith.constant 0 : index
    %get3A_26 = arith.constant 0 : index
    %get3A_27 = vector.load %arg6[%get3A_25, %get3A_26] : memref<1x128xf32, #tpu.memory_space<vmem>>, vector<1x128xf32>
    %mul3A = vector.broadcast %get3A_10 : vector<2000x1xf32> to vector<2000x128xf32>
    %mul3A_28 = vector.broadcast %get3A_27 : vector<1x128xf32> to vector<2000x128xf32>
    %mul3A_29 = arith.mulf %mul3A, %mul3A_28 : vector<2000x128xf32>
    %add3A_30 = arith.addf %dot_general3A_24, %mul3A_29 : vector<2000x128xf32>
    %max3A = arith.constant 1.000000e+00 : f32
    %max3A_31 = vector.broadcast %max3A : f32 to vector<2000x1xf32>
    %max3A_32 = arith.maximumf %get3A_10, %max3A_31 : vector<2000x1xf32>
    %div3A = vector.broadcast %max3A_32 : vector<2000x1xf32> to vector<2000x128xf32>
    %div3A_33 = arith.divf %add3A_30, %div3A : vector<2000x128xf32>
    %get3A_34 = arith.constant 0 : index
    %get3A_35 = arith.constant 0 : index
    %get3A_36 = vector.load %arg7[%get3A_34, %get3A_35] : memref<128x128xf32, #tpu.memory_space<vmem>>, vector<128x128xf32>
    %dot_general3A_37 = arith.constant dense<0.000000e+00> : vector<2000x128xf32>
    %dot_general3A_38 = tpu.matmul %div3A_33, %get3A_36, %dot_general3A_37 {dimension_numbers = #tpu.dot_dimension_numbers<[1], [1], [0], [0], [0, 0, 1, 0], [], []>, transpose_lhs_hint = false} : vector<2000x128xf32>, vector<128x128xf32>, vector<2000x128xf32> -> vector<2000x128xf32>
    %get3A_39 = arith.constant 0 : index
    %get3A_40 = arith.constant 0 : index
    %get3A_41 = vector.load %arg8[%get3A_39, %get3A_40] : memref<1x128xf32, #tpu.memory_space<vmem>>, vector<1x128xf32>
    %add3A_42 = vector.broadcast %get3A_41 : vector<1x128xf32> to vector<2000x128xf32>
    %add3A_43 = arith.addf %dot_general3A_38, %add3A_42 : vector<2000x128xf32>
    %get3A_44 = arith.constant 0 : index
    %get3A_45 = arith.constant 0 : index
    %get3A_46 = vector.load %arg9[%get3A_44, %get3A_45] : memref<128x128xf32, #tpu.memory_space<vmem>>, vector<128x128xf32>
    %dot_general3A_47 = arith.constant dense<0.000000e+00> : vector<2000x128xf32>
    %dot_general3A_48 = tpu.matmul %add3A_19, %get3A_46, %dot_general3A_47 {dimension_numbers = #tpu.dot_dimension_numbers<[1], [1], [0], [0], [0, 0, 1, 0], [], []>, transpose_lhs_hint = false} : vector<2000x128xf32>, vector<128x128xf32>, vector<2000x128xf32> -> vector<2000x128xf32>
    %add3A_49 = arith.addf %add3A_43, %dot_general3A_48 : vector<2000x128xf32>
    %reduce_sum3A = arith.constant dense<0.000000e+00> : vector<2000xf32>
    %reduce_sum3A_50 = vector.multi_reduction <add>, %add3A_49, %reduce_sum3A [1] : vector<2000x128xf32> to vector<2000xf32>
    %broadcast_in_dim3A = vector.shape_cast %reduce_sum3A_50 : vector<2000xf32> to vector<2000x1xf32>
    %div3A_51 = arith.constant 1.280000e+02 : f32
    %div3A_52 = vector.broadcast %div3A_51 : f32 to vector<2000x1xf32>
    %div3A_53 = arith.divf %broadcast_in_dim3A, %div3A_52 : vector<2000x1xf32>
    %sub3A = vector.broadcast %div3A_53 : vector<2000x1xf32> to vector<2000x128xf32>
    %sub3A_54 = arith.subf %add3A_49, %sub3A : vector<2000x128xf32>
    %mul3A_55 = arith.mulf %sub3A_54, %sub3A_54 : vector<2000x128xf32>
    %reduce_sum3A_56 = arith.constant dense<0.000000e+00> : vector<2000xf32>
    %reduce_sum3A_57 = vector.multi_reduction <add>, %mul3A_55, %reduce_sum3A_56 [1] : vector<2000x128xf32> to vector<2000xf32>
    %broadcast_in_dim3A_58 = vector.shape_cast %reduce_sum3A_57 : vector<2000xf32> to vector<2000x1xf32>
    %div3A_59 = arith.constant 1.280000e+02 : f32
    %div3A_60 = vector.broadcast %div3A_59 : f32 to vector<2000x1xf32>
    %div3A_61 = arith.divf %broadcast_in_dim3A_58, %div3A_60 : vector<2000x1xf32>
    %add3A_62 = arith.constant 9.99999974E-6 : f32
    %add3A_63 = vector.broadcast %add3A_62 : f32 to vector<2000x1xf32>
    %add3A_64 = arith.addf %div3A_61, %add3A_63 : vector<2000x1xf32>
    %rsqrt3A = math.rsqrt %add3A_64 : vector<2000x1xf32>
    %mul3A_65 = vector.broadcast %rsqrt3A : vector<2000x1xf32> to vector<2000x128xf32>
    %mul3A_66 = arith.mulf %sub3A_54, %mul3A_65 : vector<2000x128xf32>
    %get3A_67 = arith.constant 0 : index
    %get3A_68 = arith.constant 0 : index
    %get3A_69 = vector.load %arg10[%get3A_67, %get3A_68] : memref<1x128xf32, #tpu.memory_space<vmem>>, vector<1x128xf32>
    %mul3A_70 = vector.broadcast %get3A_69 : vector<1x128xf32> to vector<2000x128xf32>
    %mul3A_71 = arith.mulf %mul3A_66, %mul3A_70 : vector<2000x128xf32>
    %get3A_72 = arith.constant 0 : index
    %get3A_73 = arith.constant 0 : index
    %get3A_74 = vector.load %arg11[%get3A_72, %get3A_73] : memref<1x128xf32, #tpu.memory_space<vmem>>, vector<1x128xf32>
    %add3A_75 = vector.broadcast %get3A_74 : vector<1x128xf32> to vector<2000x128xf32>
    %add3A_76 = arith.addf %mul3A_71, %add3A_75 : vector<2000x128xf32>
    %max3A_77 = arith.constant 0.000000e+00 : f32
    %max3A_78 = vector.broadcast %max3A_77 : f32 to vector<2000x128xf32>
    %max3A_79 = arith.maximumf %add3A_76, %max3A_78 : vector<2000x128xf32>
    %get3A_80 = arith.constant 0 : index
    %get3A_81 = arith.constant 0 : index
    %get3A_82 = vector.load %arg12[%get3A_80, %get3A_81] : memref<128x128xf32, #tpu.memory_space<vmem>>, vector<128x128xf32>
    %dot_general3A_83 = arith.constant dense<0.000000e+00> : vector<2000x128xf32>
    %dot_general3A_84 = tpu.matmul %max3A_79, %get3A_82, %dot_general3A_83 {dimension_numbers = #tpu.dot_dimension_numbers<[1], [1], [0], [0], [0, 0, 1, 0], [], []>, transpose_lhs_hint = false} : vector<2000x128xf32>, vector<128x128xf32>, vector<2000x128xf32> -> vector<2000x128xf32>
    %get3A_85 = arith.constant 0 : index
    %get3A_86 = arith.constant 0 : index
    %get3A_87 = vector.load %arg13[%get3A_85, %get3A_86] : memref<1x128xf32, #tpu.memory_space<vmem>>, vector<1x128xf32>
    %add3A_88 = vector.broadcast %get3A_87 : vector<1x128xf32> to vector<2000x128xf32>
    %add3A_89 = arith.addf %dot_general3A_84, %add3A_88 : vector<2000x128xf32>
    %swap3A = arith.constant 0 : index
    %swap3A_90 = arith.constant 0 : index
    %swap3A_91 = vector.load %arg14[%swap3A, %swap3A_90] : memref<2000x128xf32, #tpu.memory_space<vmem>>, vector<2000x128xf32>
    tpu.vector_store %arg14[%swap3A, %swap3A_90], %add3A_89 {strides = array<i32>} : memref<2000x128xf32, #tpu.memory_space<vmem>>, vector<2000x128xf32>,
    return
  }
  func.func @transform_0(%arg0: i32) -> (i32, i32) {
    %c0_i32 = arith.constant 0 : i32
    %c0_i32_0 = arith.constant 0 : i32
    return %arg0, %c0_i32 : i32, i32
  }
  func.func @transform_1(%arg0: i32) -> (i32, i32) {
    %c0_i32 = arith.constant 0 : i32
    %c0_i32_0 = arith.constant 0 : i32
    return %arg0, %c0_i32 : i32, i32
  }
  func.func @transform_2(%arg0: i32) -> (i32, i32) {
    %add3A = arith.constant 5 : i32
    %add3A_0 = arith.addi %add3A, %arg0 : i32
    %c0_i32 = arith.constant 0 : i32
    %c0_i32_1 = arith.constant 0 : i32
    return %add3A_0, %c0_i32 : i32, i32
  }
  func.func @transform_3(%arg0: i32) -> (i32, i32) {
    %c0_i32 = arith.constant 0 : i32
    %c0_i32_0 = arith.constant 0 : i32
    return %arg0, %c0_i32 : i32, i32
  }
  func.func @transform_4(%arg0: i32) -> (i32, i32) {
    %c0_i32 = arith.constant 0 : i32
    %c0_i32_0 = arith.constant 0 : i32
    %c0_i32_1 = arith.constant 0 : i32
    return %c0_i32, %c0_i32_0 : i32, i32
  }
  func.func @transform_5(%arg0: i32) -> (i32, i32) {
    %c0_i32 = arith.constant 0 : i32
    %c0_i32_0 = arith.constant 0 : i32
    %c0_i32_1 = arith.constant 0 : i32
    return %c0_i32, %c0_i32_0 : i32, i32
  }
  func.func @transform_6(%arg0: i32) -> (i32, i32) {
    %c0_i32 = arith.constant 0 : i32
    %c0_i32_0 = arith.constant 0 : i32
    %c0_i32_1 = arith.constant 0 : i32
    return %c0_i32, %c0_i32_0 : i32, i32
  }
  func.func @transform_7(%arg0: i32) -> (i32, i32) {
    %c0_i32 = arith.constant 0 : i32
    %c0_i32_0 = arith.constant 0 : i32
    %c0_i32_1 = arith.constant 0 : i32
    return %c0_i32, %c0_i32_0 : i32, i32
  }
  func.func @transform_8(%arg0: i32) -> (i32, i32) {
    %c0_i32 = arith.constant 0 : i32
    %c0_i32_0 = arith.constant 0 : i32
    %c0_i32_1 = arith.constant 0 : i32
    return %c0_i32, %c0_i32_0 : i32, i32
  }
  func.func @transform_9(%arg0: i32) -> (i32, i32) {
    %c0_i32 = arith.constant 0 : i32
    %c0_i32_0 = arith.constant 0 : i32
    %c0_i32_1 = arith.constant 0 : i32
    return %c0_i32, %c0_i32_0 : i32, i32
  }
  func.func @transform_10(%arg0: i32) -> (i32, i32) {
    %c0_i32 = arith.constant 0 : i32
    %c0_i32_0 = arith.constant 0 : i32
    %c0_i32_1 = arith.constant 0 : i32
    return %c0_i32, %c0_i32_0 : i32, i32
  }
  func.func @transform_11(%arg0: i32) -> (i32, i32) {
    %c0_i32 = arith.constant 0 : i32
    %c0_i32_0 = arith.constant 0 : i32
    %c0_i32_1 = arith.constant 0 : i32
    return %c0_i32, %c0_i32_0 : i32, i32
  }
  func.func @transform_12(%arg0: i32) -> (i32, i32) {
    %c0_i32 = arith.constant 0 : i32
    %c0_i32_0 = arith.constant 0 : i32
    %c0_i32_1 = arith.constant 0 : i32
    return %c0_i32, %c0_i32_0 : i32, i32
  }
  func.func @transform_13(%arg0: i32) -> (i32, i32) {
    %c0_i32 = arith.constant 0 : i32
    %c0_i32_0 = arith.constant 0 : i32
    return %arg0, %c0_i32 : i32, i32
  }
}

</mosaic_0001>

<sc_bundles>
// kernel: kernel.4.cloned.1.call-start
scs
__scs_entry_jumppad:
0x0: {  	(pc) =	sbr.rel $0x88, $3  }
0x1: {  	(tag) =	ssettag $0x0;
	lr =	simm.s32 $0x1  }
0x2: {  	[smem:$0x3F96] =	sst lr;
	_ =	strace $0xD0000000  }
0x3: {  	_ = 	snop  }
0x4: {  	_ = 	snop  }
0x5: {  	_ = 	snop  }
0x6: {  	_ = 	snop  }
0x7: {  	_ = 	snop  }
__scs_overlays_trampoline_lowered:
0x8: {  	[smem:$0x3FA5] =	sst s0  }
0x9: {  	[smem:$0x3FA6] =	sst s1  }
0xa: {  	[smem:$0x3FA7] =	sst s2  }
0xb: {  	[smem:$0x3FA8] =	sst s3  }
0xc: {  	[smem:$0x3FA9] =	sst s4  }
0xd: {  	[smem:$0x3FAA] =	sst s5  }
0xe: {  	[smem:$0x3FAB] =	sst s6  }
0xf: {  	[smem:$0x3FAC] =	sst s7  }
0x10: {  	[smem:$0x3FAD] =	sst s8  }
0x11: {  	[smem:$0x3FAE] =	sst s9;
	s0 =	simm.s32 @!p0 $0x0  }
0x12: {  	s1 =	sld [smem:$0x3F94];
	s0 =	simm.s32 @p0 $0x1  }
0x13: {  	[smem:$0x3FAF] =	sst s0;
	s0 =	simm.s32 @!p1 $0x0  }
0x14: {  	s2 =	sld [smem:$0x3F93];
	s0 =	simm.s32 @p1 $0x1  }
0x15: {  	[smem:$0x3FB0] =	sst s0;
	s0 =	simm.s32 @!p2 $0x0  }
0x16: {  	s3 =	sld [smem:$0x3FDB];
	s0 =	simm.s32 @p2 $0x1  }
0x17: {  	s4 =	simm.s32 $0x1BF5;
	[smem:$0x3FB2] =	sst s0  }
0x18: {  	s0 =	sld [smem:$0x3F95];
	_ =	swait.ge [sflag:s4], $0x0  }
0x19: {  	s7 =	sld [smem:$0x3F96]  }
0x1a: {  	s8 =	sadd.s32 $0xFFFFE003, lr  }
0x1b: {  	s9 =	sadd.s32 $0xFFFFFEF7, lr;
	s5 =	simm.s32 $0xFFFFFFFF;
	p2 =	slt.u32 s8, $0xFFFFF086  }
0x1c: {  	p1 =	slt.u32 s9, $0xF7A;
	s5 =	simm.s32 @!p2 $0x0  }
0x1d: {  	s5 =	simm.s32 @p1 $0x1;
	p0 =	seq.s32 s7, s2  }
0x1e: {  	s7 =	smul.u32 @!p0 $0xF7A, s2;
	p2 =	seq.s32 @!p0 s5, $0x0  }
0x1f: {  	s9 =	smul.u32 $0xF7A, s1;
	s8 =	simm.s32 @!p0 $0x1BF5;
	p2 =	por !p2, p0  }
0x20: {  	[sflag:s8] =	ssyncset.s32 @!p0 $0xFFFFF086;
	s6 =	sadd.s32 @!p0 s3, s7;
	s7 =	simm.s32 @!p0 $0x108  }
0x21: {  	s3 =	sadd.s32 s3, s9;
	s6 =	sadd.s32 @!p0 $0x88, s6;
	s7 =	simm.s32 @p2 $0x1082  }
0x22: {  	[simem:s7], [sflag:s8] =	dma.local @!p0 [hbm:s6], $0xF7A  }
0x23: {  	s9 =	sor.u32 $0xD0000000, s2;
	s6 =	simm.s32 $0x108;
	_ =	swait.ge @!p0 [sflag:s8], $0x0  }
0x24: {  	s3 =	sadd.s32 $0x88, s3;
	s6 =	simm.s32 @!p1 $0x1082;
	[sflag:s4] =	ssyncset.s32 $0xFFFFF086  }
0x25: {  	[simem:s6], [sflag:s4] =	dma.local [hbm:s3], $0xF7A  }
0x26: {  	[smem:$0x3F96] =	sst s1;
	(tag) =	ssettag s2;
	_ =	strace s9  }
0x27: {  	s1 =	sld [smem:$0x3FA6]  }
0x28: {  	s2 =	sld [smem:$0x3FA7]  }
0x29: {  	s4 =	sld [smem:$0x3FA9]  }
0x2a: {  	p0 =	seq.s32 s5, $0x0;
	s5 =	sld [smem:$0x3FAA]  }
0x2b: {  	s6 =	sld [smem:$0x3FAB]  }
0x2c: {  	s7 =	sld [smem:$0x3FAC]  }
0x2d: {  	s3 =	simm.s32 $0x108;
	s8 =	sld [smem:$0x3FAD]  }
0x2e: {  	s3 =	simm.s32 @!p0 $0x1082;
	s9 =	sld [smem:$0x3FAE]  }
0x2f: {  	lr =	sadd.s32 s0, s3;
	s0 =	sld [smem:$0x3FA5]  }
0x30: {  	s3 =	sld [smem:$0x3FA8]  }
0x31: {  	[smem:$0x3FB1] =	sst s10  }
0x32: {  	s10 =	sld [smem:$0x3FAF];
	_ =	sdelay $0x3  }
0x33: {  	p0 =	seq.s32 s10, $0x1;
	s10 =	sld [smem:$0x3FB1];
	_ =	sdelay $0x3  }
0x34: {  	[smem:$0x3FB1] =	sst s10  }
0x35: {  	s10 =	sld [smem:$0x3FB0];
	_ =	sdelay $0x3  }
0x36: {  	p1 =	seq.s32 s10, $0x1;
	s10 =	sld [smem:$0x3FB1];
	_ =	sdelay $0x3  }
0x37: {  	[smem:$0x3FB1] =	sst s10  }
0x38: {  	s10 =	sld [smem:$0x3FB2]  }
0x39: {  	_ = 	snop;
	(pc) =	sbr.ind lr, $3  }
0x3a: {  	_ = 	snop  }
0x3b: {  	_ = 	snop  }
0x3c: {  	p2 =	seq.s32 s10, $0x1;
	s10 =	sld [smem:$0x3FB1]  }
0x3d: {  	_ =	shalt  }
0x3e: {  	_ =	shalt  }
0x3f: {  	_ =	shalt  }
0x40: {  	_ =	shalt  }
0x41: {  	_ =	shalt  }
0x42: {  	_ =	shalt  }
0x43: {  	_ =	shalt  }
0x44: {  	_ =	shalt  }
0x45: {  	_ =	shalt  }
0x46: {  	_ =	shalt  }
0x47: {  	_ =	shalt  }
0x48: {  	_ =	shalt  }
0x49: {  	_ =	shalt  }
0x4a: {  	_ =	shalt  }
0x4b: {  	_ =	shalt  }
0x4c: {  	_ =	shalt  }
0x4d: {  	_ =	shalt  }
0x4e: {  	_ =	shalt  }
0x4f: {  	_ =	shalt  }
0x50: {  	_ =	shalt  }
0x51: {  	_ =	shalt  }
0x52: {  	_ =	shalt  }
0x53: {  	_ =	shalt  }
0x54: {  	_ =	shalt  }
0x55: {  	_ =	shalt  }
0x56: {  	_ =	shalt  }
0x57: {  	_ =	shalt  }
0x58: {  	_ =	shalt  }
0x59: {  	_ =	shalt  }
0x5a: {  	_ =	shalt  }
0x5b: {  	_ =	shalt  }
0x5c: {  	_ =	shalt  }
0x5d: {  	_ =	shalt  }
0x5e: {  	_ =	shalt  }
0x5f: {  	_ =	shalt  }
0x60: {  	_ =	shalt  }
0x61: {  	_ =	shalt  }
0x62: {  	_ =	shalt  }
0x63: {  	_ =	shalt  }
0x64: {  	_ =	shalt  }
0x65: {  	_ =	shalt  }
0x66: {  	_ =	shalt  }
0x67: {  	_ =	shalt  }
0x68: {  	_ =	shalt  }
0x69: {  	_ =	shalt  }
0x6a: {  	_ =	shalt  }
0x6b: {  	_ =	shalt  }
0x6c: {  	_ =	shalt  }
0x6d: {  	_ =	shalt  }
0x6e: {  	_ =	shalt  }
0x6f: {  	_ =	shalt  }
0x70: {  	_ =	shalt  }
0x71: {  	_ =	shalt  }
0x72: {  	_ =	shalt  }
0x73: {  	_ =	shalt  }
0x74: {  	_ =	shalt  }
0x75: {  	_ =	shalt  }
0x76: {  	_ =	shalt  }
0x77: {  	_ =	shalt  }
0x78: {  	_ =	shalt  }
0x79: {  	_ =	shalt  }
0x7a: {  	_ =	shalt  }
0x7b: {  	_ =	shalt  }
0x7c: {  	_ =	shalt  }
0x7d: {  	_ =	shalt  }
0x7e: {  	_ =	shalt  }
0x7f: {  	_ =	shalt  }
0x80: {  	_ =	shalt  }
0x81: {  	_ =	shalt  }
0x82: {  	_ =	shalt  }
0x83: {  	_ =	shalt  }
0x84: {  	_ =	shalt  }
0x85: {  	_ =	shalt  }
0x86: {  	_ =	shalt  }
0x87: {  	_ =	shalt  }
.Lfunc_end0:
.L_simem_size_0:
called_computation_lowered:
.L_overlay_start_0:
0x88: {  	s2 =	sld [smem:$0x3FD9]  }
0x89: {  	s3 =	sld [smem:$0x3FFE];
	_ =	sdelay $0x1  }
0x8a: {  	s1 =	srdreg.scid  }
0x8b: {  	s0 =	sand.u32 $0x1, s1  }
0x8c: {  	s17 =	sshll.u32 s0, $0xA;
	s2 =	sadd.s32 s3, s2  }
0x8d: {  	s2 =	sadd.s32 s2, s17  }
0x8e: {  	[smem:$0x3FBD] =	sst s2  }
0x8f: {  	_ = 	snop  }
0x90: {  	s2 =	sld [smem:$0x3FC9]  }
0x91: {  	s18 =	sld [smem:$0x3FC8]  }
0x92: {  	s4 =	sld [smem:$0x3FD0];
	(tm) =	ssettm $0x1  }
0x93: {  	s5 =	sld [smem:$0x3FFB];
	_ =	sdelay $0x3  }
0x94: {  	_ =	strace s5  }
0x95: {  	s5 =	sld [smem:$0x3FFC];
	_ =	sdelay $0x3  }
0x96: {  	_ =	strace s5  }
0x97: {  	s5 =	sld [smem:$0x3FFD];
	_ =	sdelay $0x3  }
0x98: {  	_ =	strace s5  }
0x99: {  	_ =	strace $0x8FFFFFFF  }
0x9a: {  	s19 =	sld [smem:$0x3FDB];
	_ =	sdelay $0x1  }
0x9b: {  	s6 =	simm.s32 $_scs_section_size  }
0x9c: {  	s7 =	simm.s32 $_size__tile_overlayer_lowered;
	s8 =	simm.s32 $_tile_overlayer_lowered  }
0x9d: {  	s22 =	simm.s32 $0x1BFF;
	s21 =	sshll.u32 s8, $0x1;
	s5 =	sadd.s32 s6, s19  }
0x9e: {  	s9 =	simm.s32 $0x0;
	s20 =	sshll.u32 s7, $0x1;
	s7 =	sadd.s32 s21, s5  }
0x9f: {  	[timem:s9], [sflag:s22] =	dma.local [hbm:s7], s20  }
0xa0: {  	_ =	swait.ge [sflag:s22], s20  }
0xa1: {  	s6 =	ssub.s32 $0x0, s20;
	[sflag:s22] =	ssyncset.done $0x0  }
0xa2: {  	[sflag:s22] =	ssyncadd.s32 s6;
	_ =	sdelay $0x1  }
0xa3: {  	s23 =	simm.s32 $0x1B8B  }
0xa4: {  	_ =	swait.ge [sflag:s23], $0x1  }
0xa5: {  	[sflag:s23] =	ssyncset.done $0x0  }
0xa6: {  	s25 =	simm.s32 $0x1B8E;
	s24 =	sld [smem:$0x3FFE];
	[sflag:s23] =	ssyncadd.s32 $0xFFFFFFFF  }
0xa7: {  	s26 =	simm.s32 $execute0_lowered;
	[smem:$0x3FD2] =	sst s25  }
0xa8: {  	s7 =	sshll.u32 s26, $0x1;
	_ =	strace $0x80000046;
	[dreg:$0x1] =	wrdreg $0xFFFFFFFF  }
0xa9: {  	s28 =	simm.s32 $_size_execute0_lowered;
	s5 =	sadd.s32 s5, s7;
	[dreg:$0x0] =	wrdreg $0x0  }
0xaa: {  	s7 =	sshll.u32 s28, $0x1;
	[dreg:$0x2] =	wrdreg s5  }
0xab: {  	[dreg:$0x3] =	wrdreg s7  }
0xac: {  	[dreg:$0x4] =	wrdreg $0xC0  }
0xad: {  	_ =	task [dreg:s9], $0x5FFFF  }
0xae: {  	[dreg:$0x1] =	wrdreg $0xFFFFFFFF  }
0xaf: {  	[dreg:$0x0] =	wrdreg $0x60  }
0xb0: {  	[dreg:$0x2] =	wrdreg s2  }
0xb1: {  	[dreg:$0x3] =	wrdreg s18  }
0xb2: {  	[dreg:$0x4] =	wrdreg s4  }
0xb3: {  	[dreg:$0x5] =	wrdreg s24  }
0xb4: {  	[dreg:$0x6] =	wrdreg $0x0  }
0xb5: {  	[dreg:$0x7] =	wrdreg $0x140000  }
0xb6: {  	[dreg:$0x8] =	wrdreg $0x9  }
0xb7: {  	_ =	task.clear_ibuf [dreg:s9], $0x9FFFF;
	_ =	strace $0x90000046  }
0xb8: {  	s29 =	simm.s32 $0x9;
	_ =	strace $0x80000048  }
0xb9: {  	_ =	swait.ge [sflag:s29], $0x1  }
0xba: {  	[sflag:s29] =	ssyncadd.s32 $0xFFFFFFFF  }
0xbb: {  	_ =	strace $0x90000048  }
0xbc: {  	_ =	sfence  }
0xbd: {  	s30 =	sld [smem:$0x0];
	_ =	sdelay $0x2  }
0xbe: {  	s31 =	sshll.u32 s1, $0xD;
	s1 =	sshrl.u32 s1, $0x2  }
0xbf: {  	s3 =	sand.u32 $0x4000, s31;
	s1 =	sadd.s32 s1, s30  }
0xc0: {  	s0 =	sor.u32 s3, s0;
	s1 =	sshll.u32 s1, $0x11  }
0xc1: {  	s0 =	sor.u32 s1, s0  }
0xc2: {  	s0 =	sadd.s32 $0x8F2B, s0  }
0xc3: {  	[sflag:s0] =	ssyncadd.remote.s32 $0x1  }
0xc4: {  	_ =	sfence.sel $0xFFFF  }
0xc5: {  	[dreg:$0x0] =	wrdreg $0xFFFFFFFF;
	(pc) =	sbr.abs _section_cstart, $3  }
0xc6: {  	[dreg:$0x1] =	wrdreg $0xFFFFFFFF  }
0xc7: {  	_ =	task.clear_ibuf [dreg:s9], $0x2FFFF;
	_ =	strace $0x9FFFFFFF  }
0xc8: {  	(tm) =	ssettm $0x7FFFFFFF  }
0xc9: {  	_ =	shalt  }
tec
execute0_lowered:
.L_overlay_start_1:
0x0: {  	(tag) =	ssettag $0x1  }
0x1: {  	s1 =	rddreg [dreg:$0x0]  }
0x2: {  	s0 =	rddreg [dreg:$0x1]  }
0x3: {  	s2 =	rddreg [dreg:$0x3]  }
0x4: {  	s4 =	rddreg [dreg:$0x4]  }
0x5: {  	s5 =	rddreg [dreg:$0x5]  }
0x6: {  	s3 =	srdreg.scid;
	s15 =	stileid.u32;
	s7 =	simm.s32 $0x0  }
0x7: {  	s28 =	simm.s32 $0x14500;
	s29 =	simm.s32 $0x16880;
	s30 =	simm.s32 $0x2  }
0x8: {  	s31 =	simm.s32 $0x18880;
	s3 =	sand.u32 $0x1, s3;
	s6 =	smul.u32 $0x280, s15  }
0x9: {  	[smem:$0x7FF] =	sst s7;
	s8 =	sadd.s32 $0x2400, s2;
	s12 =	smul.u32 $0x50000, s15  }
0xa: {  	s26 =	sshll.u32 s15, $0x6;
	s20 =	smul.u32 $0x4E, s15;
	p1 =	seq.s32 s15, $0xF  }
0xb: {  	s22 =	smul.u32 $0x2800, s3;
	_ =	strace $0x80000047;
	[dreg:$0xb] =	wrdreg s8  }
0xc: {  	s8 =	sadd.s32 $0x3000, s2;
	s9 =	ssub.s32 $0x2, s3;
	s10 =	sshll.u32 s3, $0x4  }
0xd: {  	s18 =	sor.u32 $0x1C0B, s26;
	s17 =	smul.u32 $0x2710, s3;
	s26 =	simm.s32 $0x14600  }
0xe: {  	s11 =	sshrl.u32 s9, $0x1;
	s10 =	sor.u32 s15, s10;
	s25 =	sshrl.u32 s12, $0x2  }
0xf: {  	s14 =	sadd.s32 s6, s5;
	[dreg:$0xa] =	wrdreg s26;
	s26 =	simm.s32 $0x14880  }
0x10: {  	s12 =	simm.s32 $0x6;
	[dreg:$0xd] =	wrdreg s18;
	s7 =	sadd.s32 s6, s22  }
0x11: {  	s23 =	ssub.s32 s9, s11;
	s24 =	smul.u32 $0x4E, s10;
	s13 =	smin.u32 s10, $0x4  }
0x12: {  	s9 =	sadd.s32 s25, s4;
	[dreg:$0xe] =	wrdreg s14;
	s14 =	smul.u32 $0x138800, s3  }
0x13: {  	p0 =	slt.u32 s10, $0x4;
	s10 =	simm.s32 $0x4F;
	s3 =	smul.u32 $0x4E0, s3  }
0x14: {  	s6 =	sadd.s32 s6, s17;
	s25 =	simm.s32 $0x14580;
	s7 =	sshrl.u32 s7, $0x3  }
0x15: {  	s10 =	simm.s32 @!p0 $0x4E;
	s21 =	sshll.u32 s6, $0x4;
	[dreg:$0xc] =	wrdreg s9  }
0x16: {  	s6 =	sadd.s32 $0x12C000, s4;
	s23 =	smax.u32 s23, $0x1;
	[dreg:$0x9] =	wrdreg s25  }
0x17: {  	s2 =	sadd.s32 s7, s2;
	s11 =	sadd.s32 s13, s24;
	s16 =	sadd.s32 $0xFFFFFFFE, s10  }
0x18: {  	s19 =	sadd.s32 $0xFFFFFFFD, s10;
	s10 =	sand.u32 $0x1, s10;
	s3 =	sor.u32 s3, s13  }
0x19: {  	s22 =	sshrl.u32 s14, $0x3;
	[dreg:$0x14] =	wrdreg s23;
	s24 =	sshrl.u32 s9, $0x3  }
0x1a: {  	s13 =	simm.s32 $0xB;
	s23 =	simm.s32 $0x40;
	[dreg:$0x7] =	wrdreg s16  }
0x1b: {  	s7 =	simm.s32 $0x5;
	s11 =	sshll.u32 s11, $0x5;
	[dreg:$0x8] =	wrdreg s19  }
0x1c: {  	p0 =	seq.s32 s10, $0x1;
	s2 =	sadd.s32 $0x2600, s2;
	s3 =	sadd.s32 s20, s3  }
0x1d: {  	[dreg:$0x15] =	wrdreg s24;
	s24 =	simm.s32 $0x14480;
	s20 =	simm.s32 $0x1C880  }
0x1e: {  	s10 =	simm.s32 $0x14780;
	s16 =	simm.s32 $0x0;
	s11 =	sadd.s32 s0, s11  }
0x1f: {  	[dreg:$0x11] =	wrdreg s2;
	s2 =	sadd.s32 s8, s21;
	s3 =	sshll.u32 s3, $0x5  }
0x20: {  	s21 =	simm.s32 $0x4;
	[dreg:$0xf] =	wrdreg s11;
	s11 =	sadd.s32 $0x20, s11  }
.Ltmp0:
0x21: {  	[dreg:$0x12] =	wrdreg s2;
	s2 =	sadd.s32 s8, s22;
	(pc) =	sbr.rel .LBB2_1-.Ltmp0, $4  }
0x22: {  	s17 =	sadd.s32 s3, s0;
	s22 =	simm.s32 $0x1;
	s0 =	sshrl.u32 @p1 s6, $0x3  }
0x23: {  	s3 =	simm.s32 $0x3;
	s6 =	simm.s32 $0x14700;
	[dreg:$0x10] =	wrdreg s11  }
0x24: {  	s8 =	simm.s32 $0x14800;
	s2 =	sadd.s32 $0x25800, s2;
	[dreg:$0x16] =	wrdreg s0  }
0x25: {  	v0 =	vimm.f32 $1.000000000e+00;
	s0 =	simm.s32 $0x1A880;
	[dreg:$0x13] =	wrdreg s2;
	s2 =	simm.s32 $0x14680  }
.LBB2_5:
0x26: {  	s9 =	simm.s32 $0x7  }
0x27: {  	_ =	swait.ge [sflag:s9], $0x2000  }
0x28: {  	[sflag:s9] =	ssyncset.done $0x0  }
0x29: {  	[sflag:s9] =	ssyncadd.s32 $0xFFFFE000  }
0x2a: {  	_ =	swait.ge [sflag:s9], $0x40  }
0x2b: {  	[sflag:s9] =	ssyncset.done $0x0  }
0x2c: {  	s14 =	simm.s32 $0x8;
	[sflag:s9] =	ssyncadd.s32 $0xFFFFFFC0  }
0x2d: {  	_ =	swait.ge [sflag:s14], $0x2000  }
0x2e: {  	[sflag:s14] =	ssyncset.done $0x0  }
0x2f: {  	[sflag:s14] =	ssyncadd.s32 $0xFFFFE000  }
0x30: {  	_ =	swait.ge [sflag:s14], $0x40  }
0x31: {  	[sflag:s14] =	ssyncset.done $0x0  }
0x32: {  	s15 =	simm.s32 $0x9;
	[sflag:s14] =	ssyncadd.s32 $0xFFFFFFC0  }
0x33: {  	_ =	swait.ge [sflag:s15], $0x2000  }
0x34: {  	[sflag:s15] =	ssyncset.done $0x0  }
0x35: {  	[sflag:s15] =	ssyncadd.s32 $0xFFFFE000  }
0x36: {  	_ =	swait.ge [sflag:s15], $0x40  }
0x37: {  	[sflag:s15] =	ssyncset.done $0x0  }
0x38: {  	s18 =	simm.s32 $0xA;
	[sflag:s15] =	ssyncadd.s32 $0xFFFFFFC0  }
0x39: {  	_ =	swait.ge [sflag:s18], $0x2000  }
0x3a: {  	[sflag:s18] =	ssyncset.done $0x0  }
0x3b: {  	[sflag:s18] =	ssyncadd.s32 $0xFFFFE000  }
0x3c: {  	_ =	swait.ge [sflag:s18], $0x40  }
0x3d: {  	[sflag:s18] =	ssyncset.done $0x0  }
0x3e: {  	[sflag:s18] =	ssyncadd.s32 $0xFFFFFFC0  }
0x3f: {  	[bflag:$0x0] =	sbarrier.arrive $0xFFFF  }
0x40: {  	s18 =	rddreg [dreg:$0xd]  }
0x41: {  	s19 =	rddreg [dreg:$0x11]  }
0x42: {  	s13 =	simm.s32 $0xB;
	s11 =	rddreg [dreg:$0x17]  }
0x43: {  	[hbm:s19], [sflag:s18] =	dma.local [spmem:s11], $0x50  }
0x44: {  	_ =	swait.ge [sflag:s13], $0x50  }
0x45: {  	[sflag:s13] =	ssyncset.done $0x0;
	s9 =	rddreg [dreg:$0x13]  }
0x46: {  	s11 =	rddreg [dreg:$0x16];
	[sflag:s13] =	ssyncadd.s32 $0xFFFFFFB0  }
0x47: {  	[hbm:s9], [sflag:s18] =	dma.local @p1 [spmem:s11], $0x1900  }
0x48: {  	s9 =	simm.s32 @p1 $0xB  }
0x49: {  	_ =	swait.ge @p1 [sflag:s9], $0x1900  }
0x4a: {  	[sflag:s9] =	ssyncset.done @p1 $0x0  }
0x4b: {  	[sflag:s9] =	ssyncadd.s32 @p1 $0xFFFFE700;
	s9 =	rddreg [dreg:$0xc]  }
0x4c: {  	s11 =	rddreg [dreg:$0x12];
	s9 =	sshrl.u32 @!p1 s9, $0x3  }
0x4d: {  	[hbm:s11], [sflag:s18] =	dma.local @!p1 [spmem:s9], $0x2800  }
0x4e: {  	s9 =	simm.s32 @!p1 $0xB  }
0x4f: {  	_ =	swait.ge @!p1 [sflag:s9], $0x2800  }
0x50: {  	s16 =	sadd.s32 $0x1, s16;
	s25 =	rddreg [dreg:$0x14]  }
0x51: {  	p2 =	sne.s32 s16, s25  }
.Ltmp1:
0x52: {  	_ = 	snop;
	(pc) =	sbr.rel @!p2 .LBB2_6-.Ltmp1, $3  }
0x53: {  	_ =	sdelay $0x1  }
0x54: {  	[sflag:s9] =	ssyncset.done @!p1 $0x0  }
0x55: {  	[sflag:s9] =	ssyncadd.s32 @!p1 $0xFFFFD800  }
.LBB2_1:
0x56: {  	s9 =	rddreg [dreg:$0x2]  }
0x57: {  	s11 =	rddreg [dreg:$0x15]  }
0x58: {  	[spmem:s11], [sflag:s18] =	dma.local [hbm:s9], $0x2800  }
0x59: {  	_ =	swait.ge [sflag:s13], $0x2800  }
0x5a: {  	s14 =	rddreg [dreg:$0xe]  }
0x5b: {  	[sflag:s13] =	ssyncset.done $0x0;
	s19 =	rddreg [dreg:$0xb];
	s15 =	sshrl.u32 s14, $0x3  }
0x5c: {  	[sflag:s13] =	ssyncadd.s32 $0xFFFFD800;
	[dreg:$0x17] =	wrdreg s15  }
0x5d: {  	[spmem:s15], [sflag:s18] =	dma.local [hbm:s19], $0x50  }
0x5e: {  	_ =	swait.ge [sflag:s13], $0x50  }
0x5f: {  	[sflag:s13] =	ssyncset.done $0x0  }
0x60: {  	[sflag:s13] =	ssyncadd.s32 $0xFFFFFFB0  }
0x61: {  	[tilespmem:$0x1C880] =	vst v0  }
0x62: {  	[tilespmem:$0x1C890] =	vst v0  }
0x63: {  	[tilespmem:$0x1C8A0] =	vst v0  }
0x64: {  	[tilespmem:$0x1C8B0] =	vst v0  }
0x65: {  	[bflag:$0x0] =	sbarrier.arrive $0xFFFF  }
0x66: {  	s25 =	simm.s32 $0x0;
	s14 =	simm.s32 $0x14280;
	s13 =	rddreg [dreg:$0xf]  }
0x67: {  	[tilespmem:s14], [sflag:$0x1] =	stream.linear.gather [hbm4b:s13+s25], $0x100, $0x38;
	[tilespmem:$0x1C900] =	vst v63  }
0x68: {  	s18 =	simm.s32 $0x14380;
	s15 =	rddreg [dreg:$0x10]  }
0x69: {  	[tilespmem:s18], [sflag:$0x2] =	stream.linear.gather [hbm4b:s15+s25], $0x100, $0x38;
	[tilespmem:$0x1C900] =	vst v63  }
0x6a: {  	_ =	swait.ge [sflag:s22], $0x100  }
0x6b: {  	p2 =	por $0x1, $0x1;
	[sflag:s22] =	ssyncset.done $0x0  }
0x6c: {  	s11 =	simm.s32 @!p2 $0x7;
	[sflag:s22] =	ssyncadd.s32 $0xFFFFFF00  }
0x6d: {  	_ =	swait.ge @!p2 [sflag:s11], $0x2000  }
0x6e: {  	[sflag:s11] =	ssyncset.done @!p2 $0x0  }
0x6f: {  	[sflag:s11] =	ssyncadd.s32 @!p2 $0xFFFFE000  }
0x70: {  	_ =	swait.ge @!p2 [sflag:s11], $0x40  }
0x71: {  	[sflag:s11] =	ssyncset.done @!p2 $0x0  }
0x72: {  	[sflag:s11] =	ssyncadd.s32 @!p2 $0xFFFFFFC0;
	s11 =	simm.s32 @!p2 $0x8  }
0x73: {  	_ =	swait.ge @!p2 [sflag:s11], $0x2000  }
0x74: {  	[sflag:s11] =	ssyncset.done @!p2 $0x0  }
0x75: {  	[sflag:s11] =	ssyncadd.s32 @!p2 $0xFFFFE000  }
0x76: {  	_ =	swait.ge @!p2 [sflag:s11], $0x40  }
0x77: {  	[sflag:s11] =	ssyncset.done @!p2 $0x0  }
0x78: {  	[sflag:s11] =	ssyncadd.s32 @!p2 $0xFFFFFFC0  }
0x79: {  	v1 =	vld [tilespmem:$0x14370]  }
0x7a: {  	v2 =	vld [tilespmem:$0x14360]  }
0x7b: {  	v3 =	vld [tilespmem:$0x142F0]  }
0x7c: {  	v4 =	vld [tilespmem:$0x14350]  }
0x7d: {  	v5 =	vld [tilespmem:$0x142E0]  }
0x7e: {  	v6 =	vld [tilespmem:$0x14340];
	[tilespmem:$0x14730] =	vst v1  }
0x7f: {  	v54 =	vld [tilespmem:$0x14320];
	[tilespmem:$0x14720] =	vst v2  }
0x80: {  	v55 =	vld [tilespmem:$0x142B0];
	[tilespmem:$0x14530] =	vst v3  }
0x81: {  	v1 =	vld [tilespmem:$0x142D0];
	[tilespmem:$0x14710] =	vst v4  }
0x82: {  	v2 =	vld [tilespmem:$0x14330];
	[tilespmem:$0x14520] =	vst v5  }
0x83: {  	v3 =	vld [tilespmem:$0x142C0];
	[tilespmem:$0x14700] =	vst v6  }
0x84: {  	v56 =	vld [tilespmem:$0x14310];
	[tilespmem:$0x146A0] =	vst v54  }
0x85: {  	v57 =	vld [tilespmem:$0x14300];
	[tilespmem:$0x144B0] =	vst v55  }
0x86: {  	[tilespmem:$0x14510] =	vst v1;
	v1 =	vld [tilespmem:$0x142A0]  }
0x87: {  	[tilespmem:$0x146B0] =	vst v2;
	v2 =	vld [tilespmem:$0x14280]  }
0x88: {  	[tilespmem:$0x14500] =	vst v3;
	v3 =	vld [tilespmem:$0x14290]  }
0x89: {  	[tilespmem:$0x14690] =	vst v56  }
0x8a: {  	s19 =	rddreg [dreg:$0x7];
	[tilespmem:$0x14680] =	vst v57  }
0x8b: {  	p3 =	sle.u32 s19, $0x0;
	[tilespmem:$0x144A0] =	vst v1  }
0x8c: {  	s11 =	sadd.s32 @!p3 $0x0, s17;
	[tilespmem:$0x14480] =	vst v2  }
0x8d: {  	s13 =	simm.s32 @!p3 $0x0;
	s15 =	simm.s32 @!p3 $0x14280;
	s11 =	sadd.s32 @!p3 $0x40, s11;
	[tilespmem:$0x14490] =	vst v3  }
0x8e: {  	[tilespmem:s15], [sflag:$0x1] =	stream.linear.gather @!p3 [hbm4b:s11+s13], $0x100, $0x38;
	[tilespmem:$0x1C900] =	vst v63  }
0x8f: {  	_ = 	snop  }
0x90: {  	[tilespmem:s26], [sflag:$0x3] =	stream.indirect.gather [hbm4b:s1+s23], $0x80, s24, s23, $0xb8;
	[tilespmem:$0x1C900] =	vst v63  }
0x91: {  	_ = 	snop  }
0x92: {  	[tilespmem:s29], [sflag:$0x4] =	stream.indirect.gather [hbm4b:s1+s23], $0x80, s28, s23, $0xb8;
	[tilespmem:$0x1C900] =	vst v63  }
0x93: {  	_ =	swait.ge [sflag:s30], $0x100  }
0x94: {  	[sflag:s30] =	ssyncset.done $0x0  }
0x95: {  	s11 =	simm.s32 @!p2 $0x9;
	[sflag:s30] =	ssyncadd.s32 $0xFFFFFF00  }
0x96: {  	_ =	swait.ge @!p2 [sflag:s11], $0x2000  }
0x97: {  	[sflag:s11] =	ssyncset.done @!p2 $0x0  }
0x98: {  	[sflag:s11] =	ssyncadd.s32 @!p2 $0xFFFFE000  }
0x99: {  	_ =	swait.ge @!p2 [sflag:s11], $0x40  }
0x9a: {  	[sflag:s11] =	ssyncset.done @!p2 $0x0  }
0x9b: {  	[sflag:s11] =	ssyncadd.s32 @!p2 $0xFFFFFFC0;
	s11 =	simm.s32 @!p2 $0xA  }
0x9c: {  	_ =	swait.ge @!p2 [sflag:s11], $0x2000  }
0x9d: {  	[sflag:s11] =	ssyncset.done @!p2 $0x0  }
0x9e: {  	[sflag:s11] =	ssyncadd.s32 @!p2 $0xFFFFE000  }
0x9f: {  	_ =	swait.ge @!p2 [sflag:s11], $0x40  }
0xa0: {  	[sflag:s11] =	ssyncset.done @!p2 $0x0  }
0xa1: {  	[sflag:s11] =	ssyncadd.s32 @!p2 $0xFFFFFFC0  }
0xa2: {  	v1 =	vld [tilespmem:$0x14380]  }
0xa3: {  	v2 =	vld [tilespmem:$0x14470]  }
0xa4: {  	v3 =	vld [tilespmem:$0x14460]  }
0xa5: {  	v58 =	vld [tilespmem:$0x143F0]  }
0xa6: {  	v59 =	vld [tilespmem:$0x143E0]  }
0xa7: {  	v60 =	vld [tilespmem:$0x143D0];
	[tilespmem:$0x14580] =	vst v1  }
0xa8: {  	v61 =	vld [tilespmem:$0x14410];
	[tilespmem:$0x14830] =	vst v2  }
0xa9: {  	v1 =	vld [tilespmem:$0x14450];
	[tilespmem:$0x14820] =	vst v3  }
0xaa: {  	v3 =	vld [tilespmem:$0x14400];
	[tilespmem:$0x14630] =	vst v58  }
0xab: {  	v62 =	vld [tilespmem:$0x143C0];
	[tilespmem:$0x14620] =	vst v59  }
0xac: {  	v63 =	vld [tilespmem:$0x14390];
	[tilespmem:$0x14610] =	vst v60  }
0xad: {  	v2 =	vld [tilespmem:$0x14440];
	[tilespmem:$0x14790] =	vst v61  }
0xae: {  	[tilespmem:$0x14810] =	vst v1;
	v1 =	vld [tilespmem:$0x14420]  }
0xaf: {  	[tilespmem:$0x14780] =	vst v3;
	v3 =	vld [tilespmem:$0x143A0]  }
0xb0: {  	[tilespmem:$0x14600] =	vst v62  }
0xb1: {  	s25 =	rddreg [dreg:$0x8];
	[tilespmem:$0x14590] =	vst v63  }
0xb2: {  	s18 =	rddreg [dreg:$0x9];
	[tilespmem:$0x14800] =	vst v2  }
0xb3: {  	p3 =	sle.u32 s25, $0x0;
	s25 =	simm.s32 $0x40;
	s11 =	simm.s32 $0x0;
	v2 =	vld [tilespmem:$0x143B0];
	[tilespmem:$0x147A0] =	vst v1  }
0xb4: {  	s15 =	sadd.s32 @!p3 $0x0, s17;
	s19 =	simm.s32 @!p3 $0x0;
	s13 =	simm.s32 @!p3 $0x14380;
	v1 =	vld [tilespmem:$0x14430];
	[tilespmem:$0x145A0] =	vst v3  }
.LBB2_2:
0xb5: {  	_ =	sdelay $0x2  }
0xb6: {  	[tilespmem:$0x145B0] =	vst v2  }
0xb7: {  	s14 =	sadd.s32 @!p3 $0x60, s15;
	[tilespmem:$0x147B0] =	vst v1  }
0xb8: {  	[tilespmem:s13], [sflag:$0x2] =	stream.linear.gather @!p3 [hbm4b:s14+s19], $0x100, $0x38;
	[tilespmem:$0x1C900] =	vst v63  }
0xb9: {  	_ = 	snop  }
0xba: {  	[tilespmem:s31], [sflag:$0x5] =	stream.indirect.gather [hbm4b:s1+s23], $0x80, s18, s23, $0xb8;
	[tilespmem:$0x1C900] =	vst v63  }
0xbb: {  	s9 =	rddreg [dreg:$0xa]  }
0xbc: {  	[tilespmem:s0], [sflag:$0x6] =	stream.indirect.gather [hbm4b:s1+s23], $0x80, s9, s23, $0xb8;
	[tilespmem:$0x1C900] =	vst v63  }
0xbd: {  	_ =	swait.ge [sflag:s3], $0x2000  }
0xbe: {  	[sflag:s3] =	ssyncset.done $0x0  }
0xbf: {  	[sflag:s3] =	ssyncadd.s32 $0xFFFFE000  }
0xc0: {  	[spmem:s4] =	stream.indirect.scatter.add.f32 [tilespmem:s26], [sflag:$0x7], $0x80, s2, s23, $0xb8;
	[tilespmem:$0x1C900] =	vst v63  }
0xc1: {  	_ = 	snop  }
0xc2: {  	[spmem:s5] =	stream.indirect.scatter.add.f32 [tilespmem:s20], [sflag:$0x7], $0x1, s2, s23, $0xb8;
	[tilespmem:$0x1C900] =	vst v63  }
0xc3: {  	_ =	swait.ge [sflag:s21], $0x2000  }
0xc4: {  	[sflag:s21] =	ssyncset.done $0x0  }
0xc5: {  	[sflag:s21] =	ssyncadd.s32 $0xFFFFE000  }
0xc6: {  	[spmem:s4] =	stream.indirect.scatter.add.f32 [tilespmem:s29], [sflag:$0x8], $0x80, s6, s23, $0xb8;
	[tilespmem:$0x1C900] =	vst v63  }
0xc7: {  	_ = 	snop  }
0xc8: {  	[spmem:s5] =	stream.indirect.scatter.add.f32 [tilespmem:s20], [sflag:$0x8], $0x1, s6, s23, $0xb8;
	[tilespmem:$0x1C900] =	vst v63  }
0xc9: {  	_ =	swait.ge [sflag:s7], $0x2000  }
0xca: {  	[sflag:s7] =	ssyncset.done $0x0  }
0xcb: {  	[sflag:s7] =	ssyncadd.s32 $0xFFFFE000  }
0xcc: {  	[spmem:s4] =	stream.indirect.scatter.add.f32 [tilespmem:s31], [sflag:$0x9], $0x80, s10, s23, $0xb8;
	[tilespmem:$0x1C900] =	vst v63  }
0xcd: {  	_ = 	snop  }
0xce: {  	[spmem:s5] =	stream.indirect.scatter.add.f32 [tilespmem:s20], [sflag:$0x9], $0x1, s10, s23, $0xb8;
	[tilespmem:$0x1C900] =	vst v63  }
0xcf: {  	_ =	swait.ge [sflag:s12], $0x2000  }
0xd0: {  	[sflag:s12] =	ssyncset.done $0x0  }
0xd1: {  	[sflag:s12] =	ssyncadd.s32 $0xFFFFE000  }
0xd2: {  	[spmem:s4] =	stream.indirect.scatter.add.f32 [tilespmem:s0], [sflag:$0xA], $0x80, s8, s23, $0xb8;
	[tilespmem:$0x1C900] =	vst v63  }
0xd3: {  	_ = 	snop  }
0xd4: {  	[spmem:s5] =	stream.indirect.scatter.add.f32 [tilespmem:s20], [sflag:$0xA], $0x1, s8, s23, $0xb8;
	[tilespmem:$0x1C900] =	vst v63  }
0xd5: {  	s15 =	smov.u32 s25;
	_ =	swait.ge [sflag:s22], $0x100  }
0xd6: {  	p3 =	seq.s32 s15, $0x0;
	[sflag:s22] =	ssyncset.done $0x0  }
0xd7: {  	s9 =	simm.s32 @!p3 $0x7;
	[sflag:s22] =	ssyncadd.s32 $0xFFFFFF00  }
0xd8: {  	_ =	swait.ge @!p3 [sflag:s9], $0x2000  }
0xd9: {  	[sflag:s9] =	ssyncset.done @!p3 $0x0  }
0xda: {  	[sflag:s9] =	ssyncadd.s32 @!p3 $0xFFFFE000  }
0xdb: {  	_ =	swait.ge @!p3 [sflag:s9], $0x40  }
0xdc: {  	[sflag:s9] =	ssyncset.done @!p3 $0x0  }
0xdd: {  	[sflag:s9] =	ssyncadd.s32 @!p3 $0xFFFFFFC0;
	s9 =	simm.s32 @!p3 $0x8  }
0xde: {  	_ =	swait.ge @!p3 [sflag:s9], $0x2000  }
0xdf: {  	[sflag:s9] =	ssyncset.done @!p3 $0x0  }
0xe0: {  	[sflag:s9] =	ssyncadd.s32 @!p3 $0xFFFFE000  }
0xe1: {  	_ =	swait.ge @!p3 [sflag:s9], $0x40  }
0xe2: {  	[sflag:s9] =	ssyncset.done @!p3 $0x0  }
0xe3: {  	[sflag:s9] =	ssyncadd.s32 @!p3 $0xFFFFFFC0  }
0xe4: {  	v1 =	vld [tilespmem:$0x14370]  }
0xe5: {  	v2 =	vld [tilespmem:$0x14360]  }
0xe6: {  	v3 =	vld [tilespmem:$0x142F0]  }
0xe7: {  	v4 =	vld [tilespmem:$0x14350]  }
0xe8: {  	v5 =	vld [tilespmem:$0x142E0]  }
0xe9: {  	v6 =	vld [tilespmem:$0x14340];
	[tilespmem:$0x14730] =	vst v1  }
0xea: {  	v54 =	vld [tilespmem:$0x14320];
	[tilespmem:$0x14720] =	vst v2  }
0xeb: {  	v55 =	vld [tilespmem:$0x142B0];
	[tilespmem:$0x14530] =	vst v3  }
0xec: {  	v1 =	vld [tilespmem:$0x142D0];
	[tilespmem:$0x14710] =	vst v4  }
0xed: {  	v2 =	vld [tilespmem:$0x14330];
	[tilespmem:$0x14520] =	vst v5  }
0xee: {  	v3 =	vld [tilespmem:$0x142C0];
	[tilespmem:$0x14700] =	vst v6  }
0xef: {  	v56 =	vld [tilespmem:$0x14310];
	[tilespmem:$0x146A0] =	vst v54  }
0xf0: {  	v57 =	vld [tilespmem:$0x14300];
	[tilespmem:$0x144B0] =	vst v55  }
0xf1: {  	[tilespmem:$0x14510] =	vst v1;
	v1 =	vld [tilespmem:$0x142A0]  }
0xf2: {  	[tilespmem:$0x146B0] =	vst v2;
	v2 =	vld [tilespmem:$0x14280]  }
0xf3: {  	[tilespmem:$0x14500] =	vst v3;
	v3 =	vld [tilespmem:$0x14290]  }
0xf4: {  	[tilespmem:$0x14690] =	vst v56  }
0xf5: {  	s11 =	sadd.s32 $0x2, s11;
	s18 =	rddreg [dreg:$0x7];
	[tilespmem:$0x14680] =	vst v57  }
0xf6: {  	p4 =	sge.u32 s11, s18;
	[tilespmem:$0x144A0] =	vst v1  }
0xf7: {  	s9 =	sadd.s32 @!p4 s15, s17;
	[tilespmem:$0x14480] =	vst v2  }
0xf8: {  	s13 =	simm.s32 @!p4 $0x0;
	s14 =	simm.s32 @!p4 $0x14280;
	s9 =	sadd.s32 @!p4 $0x40, s9;
	[tilespmem:$0x14490] =	vst v3  }
0xf9: {  	[tilespmem:s14], [sflag:$0x1] =	stream.linear.gather @!p4 [hbm4b:s9+s13], $0x100, $0x38;
	[tilespmem:$0x1C900] =	vst v63  }
0xfa: {  	_ = 	snop  }
0xfb: {  	[tilespmem:s26], [sflag:$0x3] =	stream.indirect.gather [hbm4b:s1+s23], $0x80, s24, s23, $0xb8;
	[tilespmem:$0x1C900] =	vst v63  }
0xfc: {  	_ = 	snop  }
0xfd: {  	[tilespmem:s29], [sflag:$0x4] =	stream.indirect.gather [hbm4b:s1+s23], $0x80, s28, s23, $0xb8;
	[tilespmem:$0x1C900] =	vst v63  }
0xfe: {  	_ =	swait.ge [sflag:s30], $0x100  }
0xff: {  	[sflag:s30] =	ssyncset.done $0x0  }
0x100: {  	s9 =	simm.s32 @!p3 $0x9;
	[sflag:s30] =	ssyncadd.s32 $0xFFFFFF00  }
0x101: {  	_ =	swait.ge @!p3 [sflag:s9], $0x2000  }
0x102: {  	[sflag:s9] =	ssyncset.done @!p3 $0x0  }
0x103: {  	[sflag:s9] =	ssyncadd.s32 @!p3 $0xFFFFE000  }
0x104: {  	_ =	swait.ge @!p3 [sflag:s9], $0x40  }
0x105: {  	[sflag:s9] =	ssyncset.done @!p3 $0x0  }
0x106: {  	[sflag:s9] =	ssyncadd.s32 @!p3 $0xFFFFFFC0;
	s9 =	simm.s32 @!p3 $0xA  }
0x107: {  	_ =	swait.ge @!p3 [sflag:s9], $0x2000  }
0x108: {  	[sflag:s9] =	ssyncset.done @!p3 $0x0  }
0x109: {  	[sflag:s9] =	ssyncadd.s32 @!p3 $0xFFFFE000  }
0x10a: {  	_ =	swait.ge @!p3 [sflag:s9], $0x40  }
0x10b: {  	[sflag:s9] =	ssyncset.done @!p3 $0x0  }
0x10c: {  	[sflag:s9] =	ssyncadd.s32 @!p3 $0xFFFFFFC0  }
0x10d: {  	v1 =	vld [tilespmem:$0x14380]  }
0x10e: {  	v2 =	vld [tilespmem:$0x14470]  }
0x10f: {  	v3 =	vld [tilespmem:$0x14460]  }
0x110: {  	v58 =	vld [tilespmem:$0x143F0]  }
0x111: {  	v59 =	vld [tilespmem:$0x143E0]  }
0x112: {  	v60 =	vld [tilespmem:$0x143D0];
	[tilespmem:$0x14580] =	vst v1  }
0x113: {  	v61 =	vld [tilespmem:$0x14410];
	[tilespmem:$0x14830] =	vst v2  }
0x114: {  	v62 =	vld [tilespmem:$0x143C0];
	[tilespmem:$0x14820] =	vst v3  }
0x115: {  	v3 =	vld [tilespmem:$0x14400];
	[tilespmem:$0x14630] =	vst v58  }
0x116: {  	v7 =	vld [tilespmem:$0x14420];
	[tilespmem:$0x14620] =	vst v59  }
0x117: {  	v63 =	vld [tilespmem:$0x14390];
	[tilespmem:$0x14610] =	vst v60  }
0x118: {  	v1 =	vld [tilespmem:$0x14450];
	[tilespmem:$0x14790] =	vst v61  }
0x119: {  	s25 =	sadd.s32 $0x40, s25;
	v2 =	vld [tilespmem:$0x14440];
	[tilespmem:$0x14600] =	vst v62  }
0x11a: {  	p2 =	sne.s32 s25, $0x9C0;
	[tilespmem:$0x14780] =	vst v3;
	v3 =	vld [tilespmem:$0x143A0]  }
.Ltmp2:
0x11b: {  	[tilespmem:$0x147A0] =	vst v7;
	(pc) =	sbr.rel @p2 .LBB2_2-.Ltmp2, $4  }
0x11c: {  	[tilespmem:$0x14590] =	vst v63  }
0x11d: {  	s19 =	rddreg [dreg:$0x8];
	[tilespmem:$0x14810] =	vst v1  }
0x11e: {  	s18 =	rddreg [dreg:$0x9];
	p3 =	sge.u32 s11, s19;
	[tilespmem:$0x14800] =	vst v2;
	v2 =	vld [tilespmem:$0x143B0]  }
0x11f: {  	s15 =	sadd.s32 @!p3 s15, s17;
	s19 =	simm.s32 @!p3 $0x0;
	s13 =	simm.s32 @!p3 $0x14380;
	v1 =	vld [tilespmem:$0x14430];
	[tilespmem:$0x145A0] =	vst v3  }
0x120: {  	_ =	sdelay $0x2  }
0x121: {  	[tilespmem:$0x145B0] =	vst v2  }
0x122: {  	s9 =	sadd.s32 @!p3 $0x60, s15;
	[tilespmem:$0x147B0] =	vst v1  }
0x123: {  	[tilespmem:s13], [sflag:$0x2] =	stream.linear.gather @!p3 [hbm4b:s9+s19], $0x100, $0x38;
	[tilespmem:$0x1C900] =	vst v63  }
0x124: {  	_ = 	snop  }
0x125: {  	[tilespmem:s31], [sflag:$0x5] =	stream.indirect.gather [hbm4b:s1+s23], $0x80, s18, s23, $0xb8;
	[tilespmem:$0x1C900] =	vst v63  }
0x126: {  	s25 =	rddreg [dreg:$0xa]  }
0x127: {  	[tilespmem:s0], [sflag:$0x6] =	stream.indirect.gather [hbm4b:s1+s23], $0x80, s25, s23, $0xb8;
	[tilespmem:$0x1C900] =	vst v63  }
0x128: {  	_ =	swait.ge [sflag:s3], $0x2000  }
0x129: {  	[sflag:s3] =	ssyncset.done $0x0  }
0x12a: {  	[sflag:s3] =	ssyncadd.s32 $0xFFFFE000  }
0x12b: {  	[spmem:s4] =	stream.indirect.scatter.add.f32 [tilespmem:s26], [sflag:$0x7], $0x80, s2, s23, $0xb8;
	[tilespmem:$0x1C900] =	vst v63  }
0x12c: {  	_ = 	snop  }
0x12d: {  	[spmem:s5] =	stream.indirect.scatter.add.f32 [tilespmem:s20], [sflag:$0x7], $0x1, s2, s23, $0xb8;
	[tilespmem:$0x1C900] =	vst v63  }
0x12e: {  	_ =	swait.ge [sflag:s21], $0x2000  }
0x12f: {  	[sflag:s21] =	ssyncset.done $0x0  }
0x130: {  	[sflag:s21] =	ssyncadd.s32 $0xFFFFE000  }
0x131: {  	[spmem:s4] =	stream.indirect.scatter.add.f32 [tilespmem:s29], [sflag:$0x8], $0x80, s6, s23, $0xb8;
	[tilespmem:$0x1C900] =	vst v63  }
0x132: {  	_ = 	snop  }
0x133: {  	[spmem:s5] =	stream.indirect.scatter.add.f32 [tilespmem:s20], [sflag:$0x8], $0x1, s6, s23, $0xb8;
	[tilespmem:$0x1C900] =	vst v63  }
0x134: {  	_ =	swait.ge [sflag:s7], $0x2000  }
0x135: {  	[sflag:s7] =	ssyncset.done $0x0  }
0x136: {  	[sflag:s7] =	ssyncadd.s32 $0xFFFFE000  }
0x137: {  	[spmem:s4] =	stream.indirect.scatter.add.f32 [tilespmem:s31], [sflag:$0x9], $0x80, s10, s23, $0xb8;
	[tilespmem:$0x1C900] =	vst v63  }
0x138: {  	_ = 	snop  }
0x139: {  	[spmem:s5] =	stream.indirect.scatter.add.f32 [tilespmem:s20], [sflag:$0x9], $0x1, s10, s23, $0xb8;
	[tilespmem:$0x1C900] =	vst v63  }
0x13a: {  	_ =	swait.ge [sflag:s12], $0x2000  }
.Ltmp3:
0x13b: {  	[sflag:s12] =	ssyncset.done $0x0;
	(pc) =	sbr.rel @!p0 .LBB2_5-.Ltmp3, $4  }
0x13c: {  	[sflag:s12] =	ssyncadd.s32 $0xFFFFE000  }
0x13d: {  	[spmem:s4] =	stream.indirect.scatter.add.f32 [tilespmem:s0], [sflag:$0xA], $0x80, s8, s23, $0xb8;
	[tilespmem:$0x1C900] =	vst v63  }
0x13e: {  	_ = 	snop  }
0x13f: {  	[spmem:s5] =	stream.indirect.scatter.add.f32 [tilespmem:s20], [sflag:$0xA], $0x1, s8, s23, $0xb8;
	[tilespmem:$0x1C900] =	vst v63  }
0x140: {  	_ =	swait.ge [sflag:s22], $0x100  }
0x141: {  	[sflag:s22] =	ssyncset.done $0x0  }
0x142: {  	s9 =	simm.s32 $0x7;
	[sflag:s22] =	ssyncadd.s32 $0xFFFFFF00  }
0x143: {  	_ =	swait.ge [sflag:s9], $0x2000  }
0x144: {  	[sflag:s9] =	ssyncset.done $0x0  }
0x145: {  	[sflag:s9] =	ssyncadd.s32 $0xFFFFE000  }
0x146: {  	_ =	swait.ge [sflag:s9], $0x40  }
0x147: {  	[sflag:s9] =	ssyncset.done $0x0  }
0x148: {  	s25 =	simm.s32 $0x8;
	[sflag:s9] =	ssyncadd.s32 $0xFFFFFFC0  }
0x149: {  	_ =	swait.ge [sflag:s25], $0x2000  }
0x14a: {  	[sflag:s25] =	ssyncset.done $0x0  }
0x14b: {  	[sflag:s25] =	ssyncadd.s32 $0xFFFFE000  }
0x14c: {  	_ =	swait.ge [sflag:s25], $0x40  }
0x14d: {  	[sflag:s25] =	ssyncset.done $0x0  }
0x14e: {  	[sflag:s25] =	ssyncadd.s32 $0xFFFFFFC0  }
0x14f: {  	v1 =	vld [tilespmem:$0x14280]  }
0x150: {  	v2 =	vld [tilespmem:$0x14300]  }
0x151: {  	v3 =	vld [tilespmem:$0x14290]  }
0x152: {  	v4 =	vld [tilespmem:$0x14310]  }
0x153: {  	v5 =	vld [tilespmem:$0x142A0]  }
0x154: {  	[tilespmem:$0x14480] =	vst v1;
	v1 =	vld [tilespmem:$0x14320]  }
0x155: {  	v60 =	vld [tilespmem:$0x142C0];
	[tilespmem:$0x14680] =	vst v2  }
0x156: {  	v61 =	vld [tilespmem:$0x14340];
	[tilespmem:$0x14490] =	vst v3  }
0x157: {  	v2 =	vld [tilespmem:$0x142B0];
	[tilespmem:$0x14690] =	vst v4  }
0x158: {  	v3 =	vld [tilespmem:$0x14330];
	[tilespmem:$0x144A0] =	vst v5  }
0x159: {  	[tilespmem:$0x146A0] =	vst v1;
	v1 =	vld [tilespmem:$0x142D0]  }
0x15a: {  	v62 =	vld [tilespmem:$0x14360];
	[tilespmem:$0x14500] =	vst v60  }
0x15b: {  	v63 =	vld [tilespmem:$0x142F0];
	[tilespmem:$0x14700] =	vst v61  }
0x15c: {  	[tilespmem:$0x144B0] =	vst v2;
	v2 =	vld [tilespmem:$0x14350]  }
0x15d: {  	[tilespmem:$0x146B0] =	vst v3;
	v3 =	vld [tilespmem:$0x142E0]  }
0x15e: {  	[tilespmem:$0x14510] =	vst v1;
	v1 =	vld [tilespmem:$0x14370]  }
0x15f: {  	[tilespmem:$0x14720] =	vst v62  }
0x160: {  	[tilespmem:$0x14530] =	vst v63  }
0x161: {  	[tilespmem:$0x14710] =	vst v2  }
0x162: {  	[tilespmem:$0x14520] =	vst v3  }
0x163: {  	[tilespmem:$0x14730] =	vst v1  }
0x164: {  	[tilespmem:s26], [sflag:$0x3] =	stream.indirect.gather [hbm4b:s1+s23], $0x80, s24, s23, $0xb8;
	[tilespmem:$0x1C900] =	vst v63  }
0x165: {  	_ = 	snop  }
0x166: {  	[tilespmem:s29], [sflag:$0x4] =	stream.indirect.gather [hbm4b:s1+s23], $0x80, s28, s23, $0xb8;
	[tilespmem:$0x1C900] =	vst v63  }
0x167: {  	_ =	swait.ge [sflag:s3], $0x2000  }
0x168: {  	[sflag:s3] =	ssyncset.done $0x0  }
0x169: {  	[sflag:s3] =	ssyncadd.s32 $0xFFFFE000  }
0x16a: {  	[spmem:s4] =	stream.indirect.scatter.add.f32 [tilespmem:s26], [sflag:$0x7], $0x80, s2, s23, $0xb8;
	[tilespmem:$0x1C900] =	vst v63  }
0x16b: {  	_ = 	snop  }
0x16c: {  	[spmem:s5] =	stream.indirect.scatter.add.f32 [tilespmem:s20], [sflag:$0x7], $0x1, s2, s23, $0xb8;
	[tilespmem:$0x1C900] =	vst v63  }
0x16d: {  	_ =	swait.ge [sflag:s21], $0x2000  }
.Ltmp4:
0x16e: {  	[sflag:s21] =	ssyncset.done $0x0;
	(pc) =	sbr.rel .LBB2_5-.Ltmp4, $4  }
0x16f: {  	[sflag:s21] =	ssyncadd.s32 $0xFFFFE000  }
0x170: {  	[spmem:s4] =	stream.indirect.scatter.add.f32 [tilespmem:s29], [sflag:$0x8], $0x80, s6, s23, $0xb8;
	[tilespmem:$0x1C900] =	vst v63  }
0x171: {  	_ = 	snop  }
0x172: {  	[spmem:s5] =	stream.indirect.scatter.add.f32 [tilespmem:s20], [sflag:$0x8], $0x1, s6, s23, $0xb8;
	[tilespmem:$0x1C900] =	vst v63  }
.LBB2_6:
0x173: {  	_ =	sfence.sel $0x180000  }
0x174: {  	[bflag:$0x0] =	sbarrier.arrive $0xFFFF  }
0x175: {  	_ =	strace $0x90000047  }
0x176: {  	s0 =	stileid.u32;
	[bflag:$0x2] =	sbarrier.arrive $0xFFFF  }
0x177: {  	p0 =	sne.s32 s0, $0x0;
	s0 =	rddreg [dreg:$0x6]  }
0x178: {  	s0 =	sadd.s32 @!p0 $0x100000, s0  }
0x179: {  	[sflag:s0] =	ssyncadd.tile.s32 @!p0 $0x1;
	_ =	shalt  }
.Lfunc_end2:
_tile_overlayer_lowered:
.L_overlay_start_2:
0x17a: {  	(tag) =	ssettag $0x2  }
0x17b: {  	s0 =	rddreg [dreg:$0x0];
	s2 =	stileid.u32  }
0x17c: {  	s1 =	rddreg [dreg:$0x1];
	p0 =	sne.s32 s2, $0x0  }
0x17d: {  	s3 =	rddreg [dreg:$0x2];
	[bflag:$0x3] =	sbarrier.arrive $0xFFFF;
	s2 =	simm.s32 @!p0 $0x1C0B  }
0x17e: {  	[timem:s3], [sflag:s2] =	dma.local @!p0 [hbm:s0], s1  }
0x17f: {  	s0 =	simm.s32 @!p0 $0xB  }
0x180: {  	_ =	swait.ge @!p0 [sflag:s0], s1  }
0x181: {  	s1 =	ssub.s32 @!p0 $0x0, s1;
	[sflag:s0] =	ssyncset.done @!p0 $0x0  }
0x182: {  	[sflag:s0] =	ssyncadd.s32 @!p0 s1  }
0x183: {  	[bflag:$0x3] =	sbarrier.arrive $0xFFFF  }
0x184: {  	_ =	shalt  }

</sc_bundles>
